<compile_context>
chip_gen: v7x
topology: tpu7x:2x2x1
jax: 0.10.2.dev20260603
libtpu: 0.0.44.dev20260713+nightly
codegen_flags: <defaults>
</compile_context>

<pallas_src>
import jax
import jax.numpy as jnp
from jax import lax
from jax.experimental import pallas as pl
from jax.experimental.pallas import tpu as pltpu
from jax.experimental.pallas import tpu_sc as plsc

_WINDOW = 128
_QBLK = 128
_TILE = 1024
_NEG_INF = float("-inf")

_DN = (((1,), (1,)), ((), ()))


def _band_body(xq_ref, xlo_ref, wq_ref, wk_ref, band_ref):
    i = pl.program_id(1)
    nsub = _TILE // _QBLK
    ncol = 2 * _QBLK
    xq = xq_ref[0]
    xlo = xlo_ref[0]
    wq = wq_ref[...]
    wk = wk_ref[...]

    q = lax.dot_general(xq, wq, _DN, preferred_element_type=jnp.float32)
    k_mid = lax.dot_general(xq, wk, _DN, preferred_element_type=jnp.float32)
    k_lo = lax.dot_general(xlo, wk, _DN, preferred_element_type=jnp.float32)

    groups = []
    for g in range(nsub):
        qg = q[_QBLK * g:_QBLK * (g + 1)]
        kprev = k_lo if g == 0 else k_mid[_QBLK * (g - 1):_QBLK * g]
        khigh = k_mid[_QBLK * g:_QBLK * (g + 1)]
        s_pre = lax.dot_general(qg, kprev, _DN,
                                preferred_element_type=jnp.float32)
        s_hi = lax.dot_general(qg, khigh, _DN,
                               preferred_element_type=jnp.float32)
        groups.append(jnp.concatenate([s_pre, s_hi], axis=1))
    v = jnp.maximum(jnp.concatenate(groups, axis=0), 0.0)

    r = lax.broadcasted_iota(jnp.int32, (_TILE, ncol), 0)
    rg = lax.rem(r, _QBLK)
    c = lax.broadcasted_iota(jnp.int32, (_TILE, ncol), 1)
    blk = nsub * i + r // _QBLK
    valid = (c >= rg + 1) & (c <= rg + _WINDOW) & (_QBLK * (blk - 1) + c >= 0)
    vm = jnp.where(valid, v, -1.0)

    length = jnp.minimum(_QBLK * blk[:, :1] + rg[:, :1] + 1, _WINDOW)
    kk = jnp.maximum(1, length // 2)
    kkf = kk.astype(jnp.float32)

    u = lax.bitcast_convert_type(vm + 0.0, jnp.int32)

    def step(_, lohi):
        lo, hi = lohi
        mid = lo + lax.shift_right_logical(hi - lo + 1, 1)
        cnt = jnp.sum((u >= mid).astype(jnp.float32), axis=1, keepdims=True)
        ok = cnt >= kkf
        return jnp.where(ok, mid, lo), jnp.where(ok, hi, mid - 1)

    lo0 = jnp.zeros((_TILE, 1), jnp.int32)
    hi0 = jnp.full((_TILE, 1), 0x7F800000, jnp.int32)
    thr, _ = lax.fori_loop(0, 31, step, (lo0, hi0))

    gt = u > thr
    eq = jnp.where(u == thr, 1.0, 0.0)
    gtc = jnp.sum(gt.astype(jnp.float32), axis=1, keepdims=True)
    need = kkf - gtc
    inc = eq
    d = 1
    while d < ncol:
        inc = inc + jnp.concatenate(
            [jnp.zeros((_TILE, d), jnp.float32), inc[:, :-d]], axis=1)
        d *= 2
    prefix_excl = inc - eq
    sel = (vm >= 0.0) & (gt | ((eq > 0.5) & (prefix_excl < need)))
    vals = jnp.where(sel, 0.0, _NEG_INF).astype(jnp.float32)

    first = vals[:_QBLK]
    shifted = jnp.concatenate(
        [first[:, _QBLK:],
         jnp.full((_QBLK, _QBLK), _NEG_INF, jnp.float32)], axis=1)
    band_ref[:_QBLK, :] = jnp.where(i == 0, shifted, first)
    band_ref[_QBLK:, :] = vals[_QBLK:]


def _sc_body(band_hbm, out_hbm, band_v, tmpl, lsem, tsem, bsem):
    wid = lax.axis_index("s") * 2 + lax.axis_index("c")
    gbase = wid * _QBLK
    i_blk = lax.rem(wid, 16)
    coff = _QBLK * lax.max(i_blk - 1, 0)

    load = pltpu.async_copy(band_hbm.at[pl.ds(gbase, _QBLK)], band_v, lsem)

    neg = jnp.full((16,), _NEG_INF, jnp.float32)

    def fill(j, carry):
        for rb in range(8):
            tmpl[rb, pl.ds(j * 16, 16)] = neg
        return carry

    lax.fori_loop(0, 128, fill, None)

    blankets = [
        pltpu.async_copy(tmpl, out_hbm.at[pl.ds(gbase + 8 * t, 8)], tsem)
        for t in range(16)
    ]
    load.wait()
    for cp in blankets:
        cp.wait()
    pltpu.async_copy(
        band_v, out_hbm.at[pl.ds(gbase, _QBLK), pl.ds(coff, 2 * _QBLK)],
        bsem).wait()


def kernel(x, Wq, Wk):
    B, S, D = x.shape
    idim = Wq.shape[0]
    ntile = S // _TILE
    band = pl.pallas_call(
        _band_body,
        grid=(B, ntile),
        in_specs=[
            pl.BlockSpec((1, _TILE, D), lambda b, i: (b, i, 0)),
            pl.BlockSpec((1, _QBLK, D),
                         lambda b, i: (b, lax.max(8 * i - 1, 0), 0)),
            pl.BlockSpec((idim, D), lambda b, i: (0, 0)),
            pl.BlockSpec((idim, D), lambda b, i: (0, 0)),
        ],
        out_specs=pl.BlockSpec((_TILE, 2 * _QBLK),
                               lambda b, i: (b * ntile + i, 0)),
        out_shape=jax.ShapeDtypeStruct((B * S, 2 * _QBLK), jnp.float32),
        compiler_params=pltpu.CompilerParams(
            dimension_semantics=("parallel", "arbitrary"),
        ),
    )(x, x, Wq, Wk)

    sc_construct = pl.kernel(
        _sc_body,
        out_type=jax.ShapeDtypeStruct((B * S, S), jnp.float32),
        mesh=plsc.VectorSubcoreMesh(core_axis_name="c", subcore_axis_name="s",
                                    num_cores=2),
        scratch_types=[
            pltpu.VMEM((_QBLK, 2 * _QBLK), jnp.float32),
            pltpu.VMEM((8, S), jnp.float32),
            pltpu.SemaphoreType.DMA,
            pltpu.SemaphoreType.DMA,
            pltpu.SemaphoreType.DMA,
        ],
    )
    mask2d = sc_construct(band)
    return mask2d.reshape(B, 1, S, S)

# --- scband reference (transcript-rebuilt; emitter-appended) ---
"""Pipeline reference for scband-sliding-window-pattern-55490977465134 (READ-ONLY COPY).

The authoritative reference and input builder live on the scoring server;
editing this copy changes nothing except your own understanding.
"""

import jax, jax.numpy as jnp
import numpy as np

WINDOW_SIZE = 128
STRIDE = 64
SPARSE_RATIO = 0.5
INDEXER_DIM = 64
D_MODEL = 1024
BATCH = 2
SEQ_LEN = 2048


def setup_inputs(seed: int = 0):
    key = jax.random.key(seed)
    k1, k2, k3 = jax.random.split(key, 3)
    x = jax.random.normal(k1, (BATCH, SEQ_LEN, D_MODEL), dtype=jnp.float32)
    Wq = jax.random.normal(k2, (INDEXER_DIM, D_MODEL), dtype=jnp.float32) * (1.0 / np.sqrt(D_MODEL))
    Wk = jax.random.normal(k3, (INDEXER_DIM, D_MODEL), dtype=jnp.float32) * (1.0 / np.sqrt(D_MODEL))
    return {"x": x, "Wq": Wq, "Wk": Wk}


def reference(x, Wq, Wk):
    B, S, D = x.shape
    queries = x @ Wq.T
    keys = x @ Wk.T
    scores = jnp.maximum(jnp.einsum('bqd,bkd->bqk', queries, keys), 0.0)
    b_list, q_list, s_list = [], [], []
    for start in range(0, S, STRIDE):
        end = min(S, start + WINDOW_SIZE)
        for qi in range(start, end):
            ks = max(0, qi - WINDOW_SIZE + 1)
            ke = min(end, qi + 1)
            if ks < ke:
                ws = scores[:, qi, ks:ke]
                kk = max(1, int((ke - ks) * SPARSE_RATIO))
                idx = jnp.argsort(-ws, axis=-1)[:, :kk]
                sel = ks + idx
                for b in range(B):
                    b_list.append(np.full(kk, b, dtype=np.int64))
                    q_list.append(np.full(kk, qi, dtype=np.int64))
                    s_list.append(sel[b].astype(jnp.int64))
    b_all = np.concatenate(b_list)
    q_all = np.concatenate(q_list)
    s_all = jnp.concatenate(s_list)
    mask = jnp.full((B, 1, S, S), -jnp.inf, dtype=x.dtype)
    mask = mask.at[b_all, 0, q_all, s_all].set(0.0)
    return mask

if __name__ == "__main__":
    import jax
    _d = setup_inputs()
    print(jax.jit(kernel)(*tuple(_d.values())))

</pallas_src>

<mosaic_0001>
#map = affine_map<(d0, d1) -> (0, 0)>
module attributes {stable_mosaic.version = 14 : i64} {
  func.func @_sc_body(%arg0: i32, %arg1: i32, %arg2: memref<4096x256xf32, #tpu.memory_space<hbm>>, %arg3: memref<4096x2048xf32, #tpu.memory_space<hbm>>, %arg4: memref<128x256xf32, #tpu.memory_space<vmem>>, %arg5: memref<8x2048xf32, #tpu.memory_space<vmem>>, %arg6: memref<!tpu.dma_semaphore, #tpu.memory_space<semaphore_mem>>, %arg7: memref<!tpu.dma_semaphore, #tpu.memory_space<semaphore_mem>>, %arg8: memref<!tpu.dma_semaphore, #tpu.memory_space<semaphore_mem>>) attributes {dimension_semantics = [#tpu.dimension_semantics<core_parallel>, #tpu.dimension_semantics<subcore_parallel>], iteration_bounds = array<i64: 2, 16>, scalar_prefetch = 0 : i64, scratch_operands = 5 : i64, tpu.core_type = #tpu.core_type<sc_vector_subcore>, window_params = [{transform_indices = #map}, {transform_indices = #map}]} {
    %mul3A = arith.constant 2 : i32
    %mul3A_0 = arith.muli %arg1, %mul3A : i32
    %add3A = arith.addi %mul3A_0, %arg0 : i32
    %mul3A_1 = arith.constant 128 : i32
    %mul3A_2 = arith.muli %add3A, %mul3A_1 : i32
    %rem3A = arith.constant 16 : i32
    %rem3A_3 = arith.remsi %add3A, %rem3A : i32
    %sub3A = arith.constant 1 : i32
    %sub3A_4 = arith.subi %rem3A_3, %sub3A : i32
    %max3A = arith.constant 0 : i32
    %max3A_5 = arith.maxsi %sub3A_4, %max3A : i32
    %mul3A_6 = arith.constant 128 : i32
    %mul3A_7 = arith.muli %mul3A_6, %max3A_5 : i32
    %dma_start3A = arith.constant 0 : i32
    %dma_start3A_8 = tpu.memref_slice %arg2[%mul3A_2, %dma_start3A] : memref<4096x256xf32, #tpu.memory_space<hbm>> -> memref<128x256xf32, #tpu.memory_space<hbm>>
    %dma_start3A_9 = arith.constant 0 : i32
    %dma_start3A_10 = tpu.memref_slice %arg2[%mul3A_2, %dma_start3A_9] : memref<4096x256xf32, #tpu.memory_space<hbm>> -> memref<128x256xf32, #tpu.memory_space<hbm>>
    tpu.enqueue_dma source(%dma_start3A_10 : memref<128x256xf32, #tpu.memory_space<hbm>>) target(%arg4 : memref<128x256xf32, #tpu.memory_space<vmem>>) target_semaphore(%arg6 : memref<!tpu.dma_semaphore, #tpu.memory_space<semaphore_mem>>)
    %broadcast_in_dim3A = arith.constant 0xFF800000 : f32
    %broadcast_in_dim3A_11 = vector.broadcast %broadcast_in_dim3A : f32 to vector<16xf32>
    %scan3A = arith.constant 0 : i32
    %scan3A_12 = arith.constant 128 : i32
    %scan3A_13 = arith.addi %scan3A, %scan3A_12 : i32
    %scan3A_14 = arith.constant 1 : i32
    scf.for %scan3A_183 = %scan3A to %scan3A_13 step %scan3A_14  : i32 {
      %mul3A_184 = arith.constant 16 : i32
      %mul3A_185 = arith.muli %scan3A_183, %mul3A_184 : i32
      %swap3A = arith.constant 0 : i32
      %swap3A_186 = arith.index_cast %swap3A : i32 to index
      %swap3A_187 = arith.index_cast %mul3A_185 : i32 to index
      %swap3A_188 = tpu.vector_load %arg5[%swap3A_186, %swap3A_187] {strides = array<i32>} : memref<8x2048xf32, #tpu.memory_space<vmem>>, vector<1x16xf32>,
      %swap3A_189 = vector.shape_cast %swap3A_188 : vector<1x16xf32> to vector<16xf32>
      %swap3A_190 = vector.shape_cast %broadcast_in_dim3A_11 : vector<16xf32> to vector<1x16xf32>
      tpu.vector_store %arg5[%swap3A_186, %swap3A_187], %swap3A_190 {strides = array<i32>} : memref<8x2048xf32, #tpu.memory_space<vmem>>, vector<1x16xf32>,
      %mul3A_191 = arith.constant 16 : i32
      %mul3A_192 = arith.muli %scan3A_183, %mul3A_191 : i32
      %swap3A_193 = arith.constant 1 : i32
      %swap3A_194 = arith.index_cast %swap3A_193 : i32 to index
      %swap3A_195 = arith.index_cast %mul3A_192 : i32 to index
      %swap3A_196 = tpu.vector_load %arg5[%swap3A_194, %swap3A_195] {strides = array<i32>} : memref<8x2048xf32, #tpu.memory_space<vmem>>, vector<1x16xf32>,
      %swap3A_197 = vector.shape_cast %swap3A_196 : vector<1x16xf32> to vector<16xf32>
      %swap3A_198 = vector.shape_cast %broadcast_in_dim3A_11 : vector<16xf32> to vector<1x16xf32>
      tpu.vector_store %arg5[%swap3A_194, %swap3A_195], %swap3A_198 {strides = array<i32>} : memref<8x2048xf32, #tpu.memory_space<vmem>>, vector<1x16xf32>,
      %mul3A_199 = arith.constant 16 : i32
      %mul3A_200 = arith.muli %scan3A_183, %mul3A_199 : i32
      %swap3A_201 = arith.constant 2 : i32
      %swap3A_202 = arith.index_cast %swap3A_201 : i32 to index
      %swap3A_203 = arith.index_cast %mul3A_200 : i32 to index
      %swap3A_204 = tpu.vector_load %arg5[%swap3A_202, %swap3A_203] {strides = array<i32>} : memref<8x2048xf32, #tpu.memory_space<vmem>>, vector<1x16xf32>,
      %swap3A_205 = vector.shape_cast %swap3A_204 : vector<1x16xf32> to vector<16xf32>
      %swap3A_206 = vector.shape_cast %broadcast_in_dim3A_11 : vector<16xf32> to vector<1x16xf32>
      tpu.vector_store %arg5[%swap3A_202, %swap3A_203], %swap3A_206 {strides = array<i32>} : memref<8x2048xf32, #tpu.memory_space<vmem>>, vector<1x16xf32>,
      %mul3A_207 = arith.constant 16 : i32
      %mul3A_208 = arith.muli %scan3A_183, %mul3A_207 : i32
      %swap3A_209 = arith.constant 3 : i32
      %swap3A_210 = arith.index_cast %swap3A_209 : i32 to index
      %swap3A_211 = arith.index_cast %mul3A_208 : i32 to index
      %swap3A_212 = tpu.vector_load %arg5[%swap3A_210, %swap3A_211] {strides = array<i32>} : memref<8x2048xf32, #tpu.memory_space<vmem>>, vector<1x16xf32>,
      %swap3A_213 = vector.shape_cast %swap3A_212 : vector<1x16xf32> to vector<16xf32>
      %swap3A_214 = vector.shape_cast %broadcast_in_dim3A_11 : vector<16xf32> to vector<1x16xf32>
      tpu.vector_store %arg5[%swap3A_210, %swap3A_211], %swap3A_214 {strides = array<i32>} : memref<8x2048xf32, #tpu.memory_space<vmem>>, vector<1x16xf32>,
      %mul3A_215 = arith.constant 16 : i32
      %mul3A_216 = arith.muli %scan3A_183, %mul3A_215 : i32
      %swap3A_217 = arith.constant 4 : i32
      %swap3A_218 = arith.index_cast %swap3A_217 : i32 to index
      %swap3A_219 = arith.index_cast %mul3A_216 : i32 to index
      %swap3A_220 = tpu.vector_load %arg5[%swap3A_218, %swap3A_219] {strides = array<i32>} : memref<8x2048xf32, #tpu.memory_space<vmem>>, vector<1x16xf32>,
      %swap3A_221 = vector.shape_cast %swap3A_220 : vector<1x16xf32> to vector<16xf32>
      %swap3A_222 = vector.shape_cast %broadcast_in_dim3A_11 : vector<16xf32> to vector<1x16xf32>
      tpu.vector_store %arg5[%swap3A_218, %swap3A_219], %swap3A_222 {strides = array<i32>} : memref<8x2048xf32, #tpu.memory_space<vmem>>, vector<1x16xf32>,
      %mul3A_223 = arith.constant 16 : i32
      %mul3A_224 = arith.muli %scan3A_183, %mul3A_223 : i32
      %swap3A_225 = arith.constant 5 : i32
      %swap3A_226 = arith.index_cast %swap3A_225 : i32 to index
      %swap3A_227 = arith.index_cast %mul3A_224 : i32 to index
      %swap3A_228 = tpu.vector_load %arg5[%swap3A_226, %swap3A_227] {strides = array<i32>} : memref<8x2048xf32, #tpu.memory_space<vmem>>, vector<1x16xf32>,
      %swap3A_229 = vector.shape_cast %swap3A_228 : vector<1x16xf32> to vector<16xf32>
      %swap3A_230 = vector.shape_cast %broadcast_in_dim3A_11 : vector<16xf32> to vector<1x16xf32>
      tpu.vector_store %arg5[%swap3A_226, %swap3A_227], %swap3A_230 {strides = array<i32>} : memref<8x2048xf32, #tpu.memory_space<vmem>>, vector<1x16xf32>,
      %mul3A_231 = arith.constant 16 : i32
      %mul3A_232 = arith.muli %scan3A_183, %mul3A_231 : i32
      %swap3A_233 = arith.constant 6 : i32
      %swap3A_234 = arith.index_cast %swap3A_233 : i32 to index
      %swap3A_235 = arith.index_cast %mul3A_232 : i32 to index
      %swap3A_236 = tpu.vector_load %arg5[%swap3A_234, %swap3A_235] {strides = array<i32>} : memref<8x2048xf32, #tpu.memory_space<vmem>>, vector<1x16xf32>,
      %swap3A_237 = vector.shape_cast %swap3A_236 : vector<1x16xf32> to vector<16xf32>
      %swap3A_238 = vector.shape_cast %broadcast_in_dim3A_11 : vector<16xf32> to vector<1x16xf32>
      tpu.vector_store %arg5[%swap3A_234, %swap3A_235], %swap3A_238 {strides = array<i32>} : memref<8x2048xf32, #tpu.memory_space<vmem>>, vector<1x16xf32>,
      %mul3A_239 = arith.constant 16 : i32
      %mul3A_240 = arith.muli %scan3A_183, %mul3A_239 : i32
      %swap3A_241 = arith.constant 7 : i32
      %swap3A_242 = arith.index_cast %swap3A_241 : i32 to index
      %swap3A_243 = arith.index_cast %mul3A_240 : i32 to index
      %swap3A_244 = tpu.vector_load %arg5[%swap3A_242, %swap3A_243] {strides = array<i32>} : memref<8x2048xf32, #tpu.memory_space<vmem>>, vector<1x16xf32>,
      %swap3A_245 = vector.shape_cast %swap3A_244 : vector<1x16xf32> to vector<16xf32>
      %swap3A_246 = vector.shape_cast %broadcast_in_dim3A_11 : vector<16xf32> to vector<1x16xf32>
      tpu.vector_store %arg5[%swap3A_242, %swap3A_243], %swap3A_246 {strides = array<i32>} : memref<8x2048xf32, #tpu.memory_space<vmem>>, vector<1x16xf32>,
    }
    %scan3A_15 = arith.constant 128 : i32
    %add3A_16 = arith.constant 0 : i32
    %add3A_17 = arith.addi %mul3A_2, %add3A_16 : i32
    %dma_start3A_18 = arith.constant 0 : i32
    %dma_start3A_19 = tpu.memref_slice %arg3[%add3A_17, %dma_start3A_18] : memref<4096x2048xf32, #tpu.memory_space<hbm>> -> memref<8x2048xf32, #tpu.memory_space<hbm>>
    %dma_start3A_20 = arith.constant 0 : i32
    %dma_start3A_21 = tpu.memref_slice %arg3[%add3A_17, %dma_start3A_20] : memref<4096x2048xf32, #tpu.memory_space<hbm>> -> memref<8x2048xf32, #tpu.memory_space<hbm>>
    tpu.enqueue_dma source(%arg5 : memref<8x2048xf32, #tpu.memory_space<vmem>>) target(%dma_start3A_21 : memref<8x2048xf32, #tpu.memory_space<hbm>>) target_semaphore(%arg7 : memref<!tpu.dma_semaphore, #tpu.memory_space<semaphore_mem>>)
    %add3A_22 = arith.constant 8 : i32
    %add3A_23 = arith.addi %mul3A_2, %add3A_22 : i32
    %dma_start3A_24 = arith.constant 0 : i32
    %dma_start3A_25 = tpu.memref_slice %arg3[%add3A_23, %dma_start3A_24] : memref<4096x2048xf32, #tpu.memory_space<hbm>> -> memref<8x2048xf32, #tpu.memory_space<hbm>>
    %dma_start3A_26 = arith.constant 0 : i32
    %dma_start3A_27 = tpu.memref_slice %arg3[%add3A_23, %dma_start3A_26] : memref<4096x2048xf32, #tpu.memory_space<hbm>> -> memref<8x2048xf32, #tpu.memory_space<hbm>>
    tpu.enqueue_dma source(%arg5 : memref<8x2048xf32, #tpu.memory_space<vmem>>) target(%dma_start3A_27 : memref<8x2048xf32, #tpu.memory_space<hbm>>) target_semaphore(%arg7 : memref<!tpu.dma_semaphore, #tpu.memory_space<semaphore_mem>>)
    %add3A_28 = arith.constant 16 : i32
    %add3A_29 = arith.addi %mul3A_2, %add3A_28 : i32
    %dma_start3A_30 = arith.constant 0 : i32
    %dma_start3A_31 = tpu.memref_slice %arg3[%add3A_29, %dma_start3A_30] : memref<4096x2048xf32, #tpu.memory_space<hbm>> -> memref<8x2048xf32, #tpu.memory_space<hbm>>
    %dma_start3A_32 = arith.constant 0 : i32
    %dma_start3A_33 = tpu.memref_slice %arg3[%add3A_29, %dma_start3A_32] : memref<4096x2048xf32, #tpu.memory_space<hbm>> -> memref<8x2048xf32, #tpu.memory_space<hbm>>
    tpu.enqueue_dma source(%arg5 : memref<8x2048xf32, #tpu.memory_space<vmem>>) target(%dma_start3A_33 : memref<8x2048xf32, #tpu.memory_space<hbm>>) target_semaphore(%arg7 : memref<!tpu.dma_semaphore, #tpu.memory_space<semaphore_mem>>)
    %add3A_34 = arith.constant 24 : i32
    %add3A_35 = arith.addi %mul3A_2, %add3A_34 : i32
    %dma_start3A_36 = arith.constant 0 : i32
    %dma_start3A_37 = tpu.memref_slice %arg3[%add3A_35, %dma_start3A_36] : memref<4096x2048xf32, #tpu.memory_space<hbm>> -> memref<8x2048xf32, #tpu.memory_space<hbm>>
    %dma_start3A_38 = arith.constant 0 : i32
    %dma_start3A_39 = tpu.memref_slice %arg3[%add3A_35, %dma_start3A_38] : memref<4096x2048xf32, #tpu.memory_space<hbm>> -> memref<8x2048xf32, #tpu.memory_space<hbm>>
    tpu.enqueue_dma source(%arg5 : memref<8x2048xf32, #tpu.memory_space<vmem>>) target(%dma_start3A_39 : memref<8x2048xf32, #tpu.memory_space<hbm>>) target_semaphore(%arg7 : memref<!tpu.dma_semaphore, #tpu.memory_space<semaphore_mem>>)
    %add3A_40 = arith.constant 32 : i32
    %add3A_41 = arith.addi %mul3A_2, %add3A_40 : i32
    %dma_start3A_42 = arith.constant 0 : i32
    %dma_start3A_43 = tpu.memref_slice %arg3[%add3A_41, %dma_start3A_42] : memref<4096x2048xf32, #tpu.memory_space<hbm>> -> memref<8x2048xf32, #tpu.memory_space<hbm>>
    %dma_start3A_44 = arith.constant 0 : i32
    %dma_start3A_45 = tpu.memref_slice %arg3[%add3A_41, %dma_start3A_44] : memref<4096x2048xf32, #tpu.memory_space<hbm>> -> memref<8x2048xf32, #tpu.memory_space<hbm>>
    tpu.enqueue_dma source(%arg5 : memref<8x2048xf32, #tpu.memory_space<vmem>>) target(%dma_start3A_45 : memref<8x2048xf32, #tpu.memory_space<hbm>>) target_semaphore(%arg7 : memref<!tpu.dma_semaphore, #tpu.memory_space<semaphore_mem>>)
    %add3A_46 = arith.constant 40 : i32
    %add3A_47 = arith.addi %mul3A_2, %add3A_46 : i32
    %dma_start3A_48 = arith.constant 0 : i32
    %dma_start3A_49 = tpu.memref_slice %arg3[%add3A_47, %dma_start3A_48] : memref<4096x2048xf32, #tpu.memory_space<hbm>> -> memref<8x2048xf32, #tpu.memory_space<hbm>>
    %dma_start3A_50 = arith.constant 0 : i32
    %dma_start3A_51 = tpu.memref_slice %arg3[%add3A_47, %dma_start3A_50] : memref<4096x2048xf32, #tpu.memory_space<hbm>> -> memref<8x2048xf32, #tpu.memory_space<hbm>>
    tpu.enqueue_dma source(%arg5 : memref<8x2048xf32, #tpu.memory_space<vmem>>) target(%dma_start3A_51 : memref<8x2048xf32, #tpu.memory_space<hbm>>) target_semaphore(%arg7 : memref<!tpu.dma_semaphore, #tpu.memory_space<semaphore_mem>>)
    %add3A_52 = arith.constant 48 : i32
    %add3A_53 = arith.addi %mul3A_2, %add3A_52 : i32
    %dma_start3A_54 = arith.constant 0 : i32
    %dma_start3A_55 = tpu.memref_slice %arg3[%add3A_53, %dma_start3A_54] : memref<4096x2048xf32, #tpu.memory_space<hbm>> -> memref<8x2048xf32, #tpu.memory_space<hbm>>
    %dma_start3A_56 = arith.constant 0 : i32
    %dma_start3A_57 = tpu.memref_slice %arg3[%add3A_53, %dma_start3A_56] : memref<4096x2048xf32, #tpu.memory_space<hbm>> -> memref<8x2048xf32, #tpu.memory_space<hbm>>
    tpu.enqueue_dma source(%arg5 : memref<8x2048xf32, #tpu.memory_space<vmem>>) target(%dma_start3A_57 : memref<8x2048xf32, #tpu.memory_space<hbm>>) target_semaphore(%arg7 : memref<!tpu.dma_semaphore, #tpu.memory_space<semaphore_mem>>)
    %add3A_58 = arith.constant 56 : i32
    %add3A_59 = arith.addi %mul3A_2, %add3A_58 : i32
    %dma_start3A_60 = arith.constant 0 : i32
    %dma_start3A_61 = tpu.memref_slice %arg3[%add3A_59, %dma_start3A_60] : memref<4096x2048xf32, #tpu.memory_space<hbm>> -> memref<8x2048xf32, #tpu.memory_space<hbm>>
    %dma_start3A_62 = arith.constant 0 : i32
    %dma_start3A_63 = tpu.memref_slice %arg3[%add3A_59, %dma_start3A_62] : memref<4096x2048xf32, #tpu.memory_space<hbm>> -> memref<8x2048xf32, #tpu.memory_space<hbm>>
    tpu.enqueue_dma source(%arg5 : memref<8x2048xf32, #tpu.memory_space<vmem>>) target(%dma_start3A_63 : memref<8x2048xf32, #tpu.memory_space<hbm>>) target_semaphore(%arg7 : memref<!tpu.dma_semaphore, #tpu.memory_space<semaphore_mem>>)
    %add3A_64 = arith.constant 64 : i32
    %add3A_65 = arith.addi %mul3A_2, %add3A_64 : i32
    %dma_start3A_66 = arith.constant 0 : i32
    %dma_start3A_67 = tpu.memref_slice %arg3[%add3A_65, %dma_start3A_66] : memref<4096x2048xf32, #tpu.memory_space<hbm>> -> memref<8x2048xf32, #tpu.memory_space<hbm>>
    %dma_start3A_68 = arith.constant 0 : i32
    %dma_start3A_69 = tpu.memref_slice %arg3[%add3A_65, %dma_start3A_68] : memref<4096x2048xf32, #tpu.memory_space<hbm>> -> memref<8x2048xf32, #tpu.memory_space<hbm>>
    tpu.enqueue_dma source(%arg5 : memref<8x2048xf32, #tpu.memory_space<vmem>>) target(%dma_start3A_69 : memref<8x2048xf32, #tpu.memory_space<hbm>>) target_semaphore(%arg7 : memref<!tpu.dma_semaphore, #tpu.memory_space<semaphore_mem>>)
    %add3A_70 = arith.constant 72 : i32
    %add3A_71 = arith.addi %mul3A_2, %add3A_70 : i32
    %dma_start3A_72 = arith.constant 0 : i32
    %dma_start3A_73 = tpu.memref_slice %arg3[%add3A_71, %dma_start3A_72] : memref<4096x2048xf32, #tpu.memory_space<hbm>> -> memref<8x2048xf32, #tpu.memory_space<hbm>>
    %dma_start3A_74 = arith.constant 0 : i32
    %dma_start3A_75 = tpu.memref_slice %arg3[%add3A_71, %dma_start3A_74] : memref<4096x2048xf32, #tpu.memory_space<hbm>> -> memref<8x2048xf32, #tpu.memory_space<hbm>>
    tpu.enqueue_dma source(%arg5 : memref<8x2048xf32, #tpu.memory_space<vmem>>) target(%dma_start3A_75 : memref<8x2048xf32, #tpu.memory_space<hbm>>) target_semaphore(%arg7 : memref<!tpu.dma_semaphore, #tpu.memory_space<semaphore_mem>>)
    %add3A_76 = arith.constant 80 : i32
    %add3A_77 = arith.addi %mul3A_2, %add3A_76 : i32
    %dma_start3A_78 = arith.constant 0 : i32
    %dma_start3A_79 = tpu.memref_slice %arg3[%add3A_77, %dma_start3A_78] : memref<4096x2048xf32, #tpu.memory_space<hbm>> -> memref<8x2048xf32, #tpu.memory_space<hbm>>
    %dma_start3A_80 = arith.constant 0 : i32
    %dma_start3A_81 = tpu.memref_slice %arg3[%add3A_77, %dma_start3A_80] : memref<4096x2048xf32, #tpu.memory_space<hbm>> -> memref<8x2048xf32, #tpu.memory_space<hbm>>
    tpu.enqueue_dma source(%arg5 : memref<8x2048xf32, #tpu.memory_space<vmem>>) target(%dma_start3A_81 : memref<8x2048xf32, #tpu.memory_space<hbm>>) target_semaphore(%arg7 : memref<!tpu.dma_semaphore, #tpu.memory_space<semaphore_mem>>)
    %add3A_82 = arith.constant 88 : i32
    %add3A_83 = arith.addi %mul3A_2, %add3A_82 : i32
    %dma_start3A_84 = arith.constant 0 : i32
    %dma_start3A_85 = tpu.memref_slice %arg3[%add3A_83, %dma_start3A_84] : memref<4096x2048xf32, #tpu.memory_space<hbm>> -> memref<8x2048xf32, #tpu.memory_space<hbm>>
    %dma_start3A_86 = arith.constant 0 : i32
    %dma_start3A_87 = tpu.memref_slice %arg3[%add3A_83, %dma_start3A_86] : memref<4096x2048xf32, #tpu.memory_space<hbm>> -> memref<8x2048xf32, #tpu.memory_space<hbm>>
    tpu.enqueue_dma source(%arg5 : memref<8x2048xf32, #tpu.memory_space<vmem>>) target(%dma_start3A_87 : memref<8x2048xf32, #tpu.memory_space<hbm>>) target_semaphore(%arg7 : memref<!tpu.dma_semaphore, #tpu.memory_space<semaphore_mem>>)
    %add3A_88 = arith.constant 96 : i32
    %add3A_89 = arith.addi %mul3A_2, %add3A_88 : i32
    %dma_start3A_90 = arith.constant 0 : i32
    %dma_start3A_91 = tpu.memref_slice %arg3[%add3A_89, %dma_start3A_90] : memref<4096x2048xf32, #tpu.memory_space<hbm>> -> memref<8x2048xf32, #tpu.memory_space<hbm>>
    %dma_start3A_92 = arith.constant 0 : i32
    %dma_start3A_93 = tpu.memref_slice %arg3[%add3A_89, %dma_start3A_92] : memref<4096x2048xf32, #tpu.memory_space<hbm>> -> memref<8x2048xf32, #tpu.memory_space<hbm>>
    tpu.enqueue_dma source(%arg5 : memref<8x2048xf32, #tpu.memory_space<vmem>>) target(%dma_start3A_93 : memref<8x2048xf32, #tpu.memory_space<hbm>>) target_semaphore(%arg7 : memref<!tpu.dma_semaphore, #tpu.memory_space<semaphore_mem>>)
    %add3A_94 = arith.constant 104 : i32
    %add3A_95 = arith.addi %mul3A_2, %add3A_94 : i32
    %dma_start3A_96 = arith.constant 0 : i32
    %dma_start3A_97 = tpu.memref_slice %arg3[%add3A_95, %dma_start3A_96] : memref<4096x2048xf32, #tpu.memory_space<hbm>> -> memref<8x2048xf32, #tpu.memory_space<hbm>>
    %dma_start3A_98 = arith.constant 0 : i32
    %dma_start3A_99 = tpu.memref_slice %arg3[%add3A_95, %dma_start3A_98] : memref<4096x2048xf32, #tpu.memory_space<hbm>> -> memref<8x2048xf32, #tpu.memory_space<hbm>>
    tpu.enqueue_dma source(%arg5 : memref<8x2048xf32, #tpu.memory_space<vmem>>) target(%dma_start3A_99 : memref<8x2048xf32, #tpu.memory_space<hbm>>) target_semaphore(%arg7 : memref<!tpu.dma_semaphore, #tpu.memory_space<semaphore_mem>>)
    %add3A_100 = arith.constant 112 : i32
    %add3A_101 = arith.addi %mul3A_2, %add3A_100 : i32
    %dma_start3A_102 = arith.constant 0 : i32
    %dma_start3A_103 = tpu.memref_slice %arg3[%add3A_101, %dma_start3A_102] : memref<4096x2048xf32, #tpu.memory_space<hbm>> -> memref<8x2048xf32, #tpu.memory_space<hbm>>
    %dma_start3A_104 = arith.constant 0 : i32
    %dma_start3A_105 = tpu.memref_slice %arg3[%add3A_101, %dma_start3A_104] : memref<4096x2048xf32, #tpu.memory_space<hbm>> -> memref<8x2048xf32, #tpu.memory_space<hbm>>
    tpu.enqueue_dma source(%arg5 : memref<8x2048xf32, #tpu.memory_space<vmem>>) target(%dma_start3A_105 : memref<8x2048xf32, #tpu.memory_space<hbm>>) target_semaphore(%arg7 : memref<!tpu.dma_semaphore, #tpu.memory_space<semaphore_mem>>)
    %add3A_106 = arith.constant 120 : i32
    %add3A_107 = arith.addi %mul3A_2, %add3A_106 : i32
    %dma_start3A_108 = arith.constant 0 : i32
    %dma_start3A_109 = tpu.memref_slice %arg3[%add3A_107, %dma_start3A_108] : memref<4096x2048xf32, #tpu.memory_space<hbm>> -> memref<8x2048xf32, #tpu.memory_space<hbm>>
    %dma_start3A_110 = arith.constant 0 : i32
    %dma_start3A_111 = tpu.memref_slice %arg3[%add3A_107, %dma_start3A_110] : memref<4096x2048xf32, #tpu.memory_space<hbm>> -> memref<8x2048xf32, #tpu.memory_space<hbm>>
    tpu.enqueue_dma source(%arg5 : memref<8x2048xf32, #tpu.memory_space<vmem>>) target(%dma_start3A_111 : memref<8x2048xf32, #tpu.memory_space<hbm>>) target_semaphore(%arg7 : memref<!tpu.dma_semaphore, #tpu.memory_space<semaphore_mem>>)
    %dma_wait3A = arith.constant 0 : i32
    %dma_wait3A_112 = tpu.memref_slice %arg2[%mul3A_2, %dma_wait3A] : memref<4096x256xf32, #tpu.memory_space<hbm>> -> memref<128x256xf32, #tpu.memory_space<hbm>>
    %dma_wait3A_113 = arith.constant 0 : i32
    %dma_wait3A_114 = tpu.memref_slice %arg2[%mul3A_2, %dma_wait3A_113] : memref<4096x256xf32, #tpu.memory_space<hbm>> -> memref<128x256xf32, #tpu.memory_space<hbm>>
    tpu.wait_dma2 semaphore(%arg6 : memref<!tpu.dma_semaphore, #tpu.memory_space<semaphore_mem>>) src(%dma_wait3A_114 : memref<128x256xf32, #tpu.memory_space<hbm>>) dst(%arg4 : memref<128x256xf32, #tpu.memory_space<vmem>>)
    %dma_wait3A_115 = arith.constant 0 : i32
    %dma_wait3A_116 = tpu.memref_slice %arg3[%add3A_17, %dma_wait3A_115] : memref<4096x2048xf32, #tpu.memory_space<hbm>> -> memref<8x2048xf32, #tpu.memory_space<hbm>>
    %dma_wait3A_117 = arith.constant 0 : i32
    %dma_wait3A_118 = tpu.memref_slice %arg3[%add3A_17, %dma_wait3A_117] : memref<4096x2048xf32, #tpu.memory_space<hbm>> -> memref<8x2048xf32, #tpu.memory_space<hbm>>
    tpu.wait_dma2 semaphore(%arg7 : memref<!tpu.dma_semaphore, #tpu.memory_space<semaphore_mem>>) src(%arg5 : memref<8x2048xf32, #tpu.memory_space<vmem>>) dst(%dma_wait3A_118 : memref<8x2048xf32, #tpu.memory_space<hbm>>)
    %dma_wait3A_119 = arith.constant 0 : i32
    %dma_wait3A_120 = tpu.memref_slice %arg3[%add3A_23, %dma_wait3A_119] : memref<4096x2048xf32, #tpu.memory_space<hbm>> -> memref<8x2048xf32, #tpu.memory_space<hbm>>
    %dma_wait3A_121 = arith.constant 0 : i32
    %dma_wait3A_122 = tpu.memref_slice %arg3[%add3A_23, %dma_wait3A_121] : memref<4096x2048xf32, #tpu.memory_space<hbm>> -> memref<8x2048xf32, #tpu.memory_space<hbm>>
    tpu.wait_dma2 semaphore(%arg7 : memref<!tpu.dma_semaphore, #tpu.memory_space<semaphore_mem>>) src(%arg5 : memref<8x2048xf32, #tpu.memory_space<vmem>>) dst(%dma_wait3A_122 : memref<8x2048xf32, #tpu.memory_space<hbm>>)
    %dma_wait3A_123 = arith.constant 0 : i32
    %dma_wait3A_124 = tpu.memref_slice %arg3[%add3A_29, %dma_wait3A_123] : memref<4096x2048xf32, #tpu.memory_space<hbm>> -> memref<8x2048xf32, #tpu.memory_space<hbm>>
    %dma_wait3A_125 = arith.constant 0 : i32
    %dma_wait3A_126 = tpu.memref_slice %arg3[%add3A_29, %dma_wait3A_125] : memref<4096x2048xf32, #tpu.memory_space<hbm>> -> memref<8x2048xf32, #tpu.memory_space<hbm>>
    tpu.wait_dma2 semaphore(%arg7 : memref<!tpu.dma_semaphore, #tpu.memory_space<semaphore_mem>>) src(%arg5 : memref<8x2048xf32, #tpu.memory_space<vmem>>) dst(%dma_wait3A_126 : memref<8x2048xf32, #tpu.memory_space<hbm>>)
    %dma_wait3A_127 = arith.constant 0 : i32
    %dma_wait3A_128 = tpu.memref_slice %arg3[%add3A_35, %dma_wait3A_127] : memref<4096x2048xf32, #tpu.memory_space<hbm>> -> memref<8x2048xf32, #tpu.memory_space<hbm>>
    %dma_wait3A_129 = arith.constant 0 : i32
    %dma_wait3A_130 = tpu.memref_slice %arg3[%add3A_35, %dma_wait3A_129] : memref<4096x2048xf32, #tpu.memory_space<hbm>> -> memref<8x2048xf32, #tpu.memory_space<hbm>>
    tpu.wait_dma2 semaphore(%arg7 : memref<!tpu.dma_semaphore, #tpu.memory_space<semaphore_mem>>) src(%arg5 : memref<8x2048xf32, #tpu.memory_space<vmem>>) dst(%dma_wait3A_130 : memref<8x2048xf32, #tpu.memory_space<hbm>>)
    %dma_wait3A_131 = arith.constant 0 : i32
    %dma_wait3A_132 = tpu.memref_slice %arg3[%add3A_41, %dma_wait3A_131] : memref<4096x2048xf32, #tpu.memory_space<hbm>> -> memref<8x2048xf32, #tpu.memory_space<hbm>>
    %dma_wait3A_133 = arith.constant 0 : i32
    %dma_wait3A_134 = tpu.memref_slice %arg3[%add3A_41, %dma_wait3A_133] : memref<4096x2048xf32, #tpu.memory_space<hbm>> -> memref<8x2048xf32, #tpu.memory_space<hbm>>
    tpu.wait_dma2 semaphore(%arg7 : memref<!tpu.dma_semaphore, #tpu.memory_space<semaphore_mem>>) src(%arg5 : memref<8x2048xf32, #tpu.memory_space<vmem>>) dst(%dma_wait3A_134 : memref<8x2048xf32, #tpu.memory_space<hbm>>)
    %dma_wait3A_135 = arith.constant 0 : i32
    %dma_wait3A_136 = tpu.memref_slice %arg3[%add3A_47, %dma_wait3A_135] : memref<4096x2048xf32, #tpu.memory_space<hbm>> -> memref<8x2048xf32, #tpu.memory_space<hbm>>
    %dma_wait3A_137 = arith.constant 0 : i32
    %dma_wait3A_138 = tpu.memref_slice %arg3[%add3A_47, %dma_wait3A_137] : memref<4096x2048xf32, #tpu.memory_space<hbm>> -> memref<8x2048xf32, #tpu.memory_space<hbm>>
    tpu.wait_dma2 semaphore(%arg7 : memref<!tpu.dma_semaphore, #tpu.memory_space<semaphore_mem>>) src(%arg5 : memref<8x2048xf32, #tpu.memory_space<vmem>>) dst(%dma_wait3A_138 : memref<8x2048xf32, #tpu.memory_space<hbm>>)
    %dma_wait3A_139 = arith.constant 0 : i32
    %dma_wait3A_140 = tpu.memref_slice %arg3[%add3A_53, %dma_wait3A_139] : memref<4096x2048xf32, #tpu.memory_space<hbm>> -> memref<8x2048xf32, #tpu.memory_space<hbm>>
    %dma_wait3A_141 = arith.constant 0 : i32
    %dma_wait3A_142 = tpu.memref_slice %arg3[%add3A_53, %dma_wait3A_141] : memref<4096x2048xf32, #tpu.memory_space<hbm>> -> memref<8x2048xf32, #tpu.memory_space<hbm>>
    tpu.wait_dma2 semaphore(%arg7 : memref<!tpu.dma_semaphore, #tpu.memory_space<semaphore_mem>>) src(%arg5 : memref<8x2048xf32, #tpu.memory_space<vmem>>) dst(%dma_wait3A_142 : memref<8x2048xf32, #tpu.memory_space<hbm>>)
    %dma_wait3A_143 = arith.constant 0 : i32
    %dma_wait3A_144 = tpu.memref_slice %arg3[%add3A_59, %dma_wait3A_143] : memref<4096x2048xf32, #tpu.memory_space<hbm>> -> memref<8x2048xf32, #tpu.memory_space<hbm>>
    %dma_wait3A_145 = arith.constant 0 : i32
    %dma_wait3A_146 = tpu.memref_slice %arg3[%add3A_59, %dma_wait3A_145] : memref<4096x2048xf32, #tpu.memory_space<hbm>> -> memref<8x2048xf32, #tpu.memory_space<hbm>>
    tpu.wait_dma2 semaphore(%arg7 : memref<!tpu.dma_semaphore, #tpu.memory_space<semaphore_mem>>) src(%arg5 : memref<8x2048xf32, #tpu.memory_space<vmem>>) dst(%dma_wait3A_146 : memref<8x2048xf32, #tpu.memory_space<hbm>>)
    %dma_wait3A_147 = arith.constant 0 : i32
    %dma_wait3A_148 = tpu.memref_slice %arg3[%add3A_65, %dma_wait3A_147] : memref<4096x2048xf32, #tpu.memory_space<hbm>> -> memref<8x2048xf32, #tpu.memory_space<hbm>>
    %dma_wait3A_149 = arith.constant 0 : i32
    %dma_wait3A_150 = tpu.memref_slice %arg3[%add3A_65, %dma_wait3A_149] : memref<4096x2048xf32, #tpu.memory_space<hbm>> -> memref<8x2048xf32, #tpu.memory_space<hbm>>
    tpu.wait_dma2 semaphore(%arg7 : memref<!tpu.dma_semaphore, #tpu.memory_space<semaphore_mem>>) src(%arg5 : memref<8x2048xf32, #tpu.memory_space<vmem>>) dst(%dma_wait3A_150 : memref<8x2048xf32, #tpu.memory_space<hbm>>)
    %dma_wait3A_151 = arith.constant 0 : i32
    %dma_wait3A_152 = tpu.memref_slice %arg3[%add3A_71, %dma_wait3A_151] : memref<4096x2048xf32, #tpu.memory_space<hbm>> -> memref<8x2048xf32, #tpu.memory_space<hbm>>
    %dma_wait3A_153 = arith.constant 0 : i32
    %dma_wait3A_154 = tpu.memref_slice %arg3[%add3A_71, %dma_wait3A_153] : memref<4096x2048xf32, #tpu.memory_space<hbm>> -> memref<8x2048xf32, #tpu.memory_space<hbm>>
    tpu.wait_dma2 semaphore(%arg7 : memref<!tpu.dma_semaphore, #tpu.memory_space<semaphore_mem>>) src(%arg5 : memref<8x2048xf32, #tpu.memory_space<vmem>>) dst(%dma_wait3A_154 : memref<8x2048xf32, #tpu.memory_space<hbm>>)
    %dma_wait3A_155 = arith.constant 0 : i32
    %dma_wait3A_156 = tpu.memref_slice %arg3[%add3A_77, %dma_wait3A_155] : memref<4096x2048xf32, #tpu.memory_space<hbm>> -> memref<8x2048xf32, #tpu.memory_space<hbm>>
    %dma_wait3A_157 = arith.constant 0 : i32
    %dma_wait3A_158 = tpu.memref_slice %arg3[%add3A_77, %dma_wait3A_157] : memref<4096x2048xf32, #tpu.memory_space<hbm>> -> memref<8x2048xf32, #tpu.memory_space<hbm>>
    tpu.wait_dma2 semaphore(%arg7 : memref<!tpu.dma_semaphore, #tpu.memory_space<semaphore_mem>>) src(%arg5 : memref<8x2048xf32, #tpu.memory_space<vmem>>) dst(%dma_wait3A_158 : memref<8x2048xf32, #tpu.memory_space<hbm>>)
    %dma_wait3A_159 = arith.constant 0 : i32
    %dma_wait3A_160 = tpu.memref_slice %arg3[%add3A_83, %dma_wait3A_159] : memref<4096x2048xf32, #tpu.memory_space<hbm>> -> memref<8x2048xf32, #tpu.memory_space<hbm>>
    %dma_wait3A_161 = arith.constant 0 : i32
    %dma_wait3A_162 = tpu.memref_slice %arg3[%add3A_83, %dma_wait3A_161] : memref<4096x2048xf32, #tpu.memory_space<hbm>> -> memref<8x2048xf32, #tpu.memory_space<hbm>>
    tpu.wait_dma2 semaphore(%arg7 : memref<!tpu.dma_semaphore, #tpu.memory_space<semaphore_mem>>) src(%arg5 : memref<8x2048xf32, #tpu.memory_space<vmem>>) dst(%dma_wait3A_162 : memref<8x2048xf32, #tpu.memory_space<hbm>>)
    %dma_wait3A_163 = arith.constant 0 : i32
    %dma_wait3A_164 = tpu.memref_slice %arg3[%add3A_89, %dma_wait3A_163] : memref<4096x2048xf32, #tpu.memory_space<hbm>> -> memref<8x2048xf32, #tpu.memory_space<hbm>>
    %dma_wait3A_165 = arith.constant 0 : i32
    %dma_wait3A_166 = tpu.memref_slice %arg3[%add3A_89, %dma_wait3A_165] : memref<4096x2048xf32, #tpu.memory_space<hbm>> -> memref<8x2048xf32, #tpu.memory_space<hbm>>
    tpu.wait_dma2 semaphore(%arg7 : memref<!tpu.dma_semaphore, #tpu.memory_space<semaphore_mem>>) src(%arg5 : memref<8x2048xf32, #tpu.memory_space<vmem>>) dst(%dma_wait3A_166 : memref<8x2048xf32, #tpu.memory_space<hbm>>)
    %dma_wait3A_167 = arith.constant 0 : i32
    %dma_wait3A_168 = tpu.memref_slice %arg3[%add3A_95, %dma_wait3A_167] : memref<4096x2048xf32, #tpu.memory_space<hbm>> -> memref<8x2048xf32, #tpu.memory_space<hbm>>
    %dma_wait3A_169 = arith.constant 0 : i32
    %dma_wait3A_170 = tpu.memref_slice %arg3[%add3A_95, %dma_wait3A_169] : memref<4096x2048xf32, #tpu.memory_space<hbm>> -> memref<8x2048xf32, #tpu.memory_space<hbm>>
    tpu.wait_dma2 semaphore(%arg7 : memref<!tpu.dma_semaphore, #tpu.memory_space<semaphore_mem>>) src(%arg5 : memref<8x2048xf32, #tpu.memory_space<vmem>>) dst(%dma_wait3A_170 : memref<8x2048xf32, #tpu.memory_space<hbm>>)
    %dma_wait3A_171 = arith.constant 0 : i32
    %dma_wait3A_172 = tpu.memref_slice %arg3[%add3A_101, %dma_wait3A_171] : memref<4096x2048xf32, #tpu.memory_space<hbm>> -> memref<8x2048xf32, #tpu.memory_space<hbm>>
    %dma_wait3A_173 = arith.constant 0 : i32
    %dma_wait3A_174 = tpu.memref_slice %arg3[%add3A_101, %dma_wait3A_173] : memref<4096x2048xf32, #tpu.memory_space<hbm>> -> memref<8x2048xf32, #tpu.memory_space<hbm>>
    tpu.wait_dma2 semaphore(%arg7 : memref<!tpu.dma_semaphore, #tpu.memory_space<semaphore_mem>>) src(%arg5 : memref<8x2048xf32, #tpu.memory_space<vmem>>) dst(%dma_wait3A_174 : memref<8x2048xf32, #tpu.memory_space<hbm>>)
    %dma_wait3A_175 = arith.constant 0 : i32
    %dma_wait3A_176 = tpu.memref_slice %arg3[%add3A_107, %dma_wait3A_175] : memref<4096x2048xf32, #tpu.memory_space<hbm>> -> memref<8x2048xf32, #tpu.memory_space<hbm>>
    %dma_wait3A_177 = arith.constant 0 : i32
    %dma_wait3A_178 = tpu.memref_slice %arg3[%add3A_107, %dma_wait3A_177] : memref<4096x2048xf32, #tpu.memory_space<hbm>> -> memref<8x2048xf32, #tpu.memory_space<hbm>>
    tpu.wait_dma2 semaphore(%arg7 : memref<!tpu.dma_semaphore, #tpu.memory_space<semaphore_mem>>) src(%arg5 : memref<8x2048xf32, #tpu.memory_space<vmem>>) dst(%dma_wait3A_178 : memref<8x2048xf32, #tpu.memory_space<hbm>>)
    %dma_start3A_179 = tpu.memref_slice %arg3[%mul3A_2, %mul3A_7] : memref<4096x2048xf32, #tpu.memory_space<hbm>> -> memref<128x256xf32, #tpu.memory_space<hbm>>
    %dma_start3A_180 = tpu.memref_slice %arg3[%mul3A_2, %mul3A_7] : memref<4096x2048xf32, #tpu.memory_space<hbm>> -> memref<128x256xf32, #tpu.memory_space<hbm>>
    tpu.enqueue_dma source(%arg4 : memref<128x256xf32, #tpu.memory_space<vmem>>) target(%dma_start3A_180 : memref<128x256xf32, #tpu.memory_space<hbm>>) target_semaphore(%arg8 : memref<!tpu.dma_semaphore, #tpu.memory_space<semaphore_mem>>)
    %dma_wait3A_181 = tpu.memref_slice %arg3[%mul3A_2, %mul3A_7] : memref<4096x2048xf32, #tpu.memory_space<hbm>> -> memref<128x256xf32, #tpu.memory_space<hbm>>
    %dma_wait3A_182 = tpu.memref_slice %arg3[%mul3A_2, %mul3A_7] : memref<4096x2048xf32, #tpu.memory_space<hbm>> -> memref<128x256xf32, #tpu.memory_space<hbm>>
    tpu.wait_dma2 semaphore(%arg8 : memref<!tpu.dma_semaphore, #tpu.memory_space<semaphore_mem>>) src(%arg4 : memref<128x256xf32, #tpu.memory_space<vmem>>) dst(%dma_wait3A_182 : memref<128x256xf32, #tpu.memory_space<hbm>>)
    return
  }
}

module attributes {stable_mosaic.version = 14 : i64} {
  func.func @_band_body(%arg0: i32, %arg1: i32, %arg2: memref<1x1024x1024xf32, #tpu.memory_space<vmem>>, %arg3: memref<1x128x1024xf32, #tpu.memory_space<vmem>>, %arg4: memref<64x1024xf32, #tpu.memory_space<vmem>>, %arg5: memref<64x1024xf32, #tpu.memory_space<vmem>>, %arg6: memref<1024x256xf32, #tpu.memory_space<vmem>>) attributes {dimension_semantics = [#tpu.dimension_semantics<parallel>, #tpu.dimension_semantics<arbitrary>], iteration_bounds = array<i64: 2, 2>, scalar_prefetch = 0 : i64, scratch_operands = 0 : i64, tpu.core_type = #tpu.core_type<tc>, window_params = [{transform_indices = @transform_0, window_bounds = array<i64: 1, 1024, 1024>}, {transform_indices = @transform_1, window_bounds = array<i64: 1, 128, 1024>}, {pipeline_mode = #tpu.pipeline_mode<synchronous>, transform_indices = @transform_2, window_bounds = array<i64: 64, 1024>}, {pipeline_mode = #tpu.pipeline_mode<synchronous>, transform_indices = @transform_3, window_bounds = array<i64: 64, 1024>}, {transform_indices = @transform_4, window_bounds = array<i64: 1024, 256>}]} {
    %get3A = arith.constant 0 : index
    %get3A_0 = arith.constant 0 : index
    %get3A_1 = arith.constant 0 : index
    %get3A_2 = vector.load %arg2[%get3A, %get3A_0, %get3A_1] : memref<1x1024x1024xf32, #tpu.memory_space<vmem>>, vector<1x1024x1024xf32>
    %get3A_3 = vector.shape_cast %get3A_2 : vector<1x1024x1024xf32> to vector<1024x1024xf32>
    %get3A_4 = arith.constant 0 : index
    %get3A_5 = arith.constant 0 : index
    %get3A_6 = arith.constant 0 : index
    %get3A_7 = vector.load %arg3[%get3A_4, %get3A_5, %get3A_6] : memref<1x128x1024xf32, #tpu.memory_space<vmem>>, vector<1x128x1024xf32>
    %get3A_8 = vector.shape_cast %get3A_7 : vector<1x128x1024xf32> to vector<128x1024xf32>
    %get3A_9 = arith.constant 0 : index
    %get3A_10 = arith.constant 0 : index
    %get3A_11 = vector.load %arg4[%get3A_9, %get3A_10] : memref<64x1024xf32, #tpu.memory_space<vmem>>, vector<64x1024xf32>
    %get3A_12 = arith.constant 0 : index
    %get3A_13 = arith.constant 0 : index
    %get3A_14 = vector.load %arg5[%get3A_12, %get3A_13] : memref<64x1024xf32, #tpu.memory_space<vmem>>, vector<64x1024xf32>
    %dot_general3A = arith.constant dense<0.000000e+00> : vector<1024x64xf32>
    %dot_general3A_15 = tpu.matmul %get3A_3, %get3A_11, %dot_general3A {dimension_numbers = #tpu.dot_dimension_numbers<[1], [1], [0], [0], [0, 0, 1, 0], [], []>, transpose_lhs_hint = false} : vector<1024x1024xf32>, vector<64x1024xf32>, vector<1024x64xf32> -> vector<1024x64xf32>
    %dot_general3A_16 = arith.constant dense<0.000000e+00> : vector<1024x64xf32>
    %dot_general3A_17 = tpu.matmul %get3A_3, %get3A_14, %dot_general3A_16 {dimension_numbers = #tpu.dot_dimension_numbers<[1], [1], [0], [0], [0, 0, 1, 0], [], []>, transpose_lhs_hint = false} : vector<1024x1024xf32>, vector<64x1024xf32>, vector<1024x64xf32> -> vector<1024x64xf32>
    %dot_general3A_18 = arith.constant dense<0.000000e+00> : vector<128x64xf32>
    %dot_general3A_19 = tpu.matmul %get3A_8, %get3A_14, %dot_general3A_18 {dimension_numbers = #tpu.dot_dimension_numbers<[1], [1], [0], [0], [0, 0, 1, 0], [], []>, transpose_lhs_hint = false} : vector<128x1024xf32>, vector<64x1024xf32>, vector<128x64xf32> -> vector<128x64xf32>
    %slice3A = vector.extract_strided_slice %dot_general3A_15 {offsets = [0, 0], sizes = [128, 64], strides = [1, 1]} : vector<1024x64xf32> to vector<128x64xf32>
    %slice3A_20 = vector.extract_strided_slice %dot_general3A_17 {offsets = [0, 0], sizes = [128, 64], strides = [1, 1]} : vector<1024x64xf32> to vector<128x64xf32>
    %dot_general3A_21 = arith.constant dense<0.000000e+00> : vector<128x128xf32>
    %dot_general3A_22 = tpu.matmul %slice3A, %dot_general3A_19, %dot_general3A_21 {dimension_numbers = #tpu.dot_dimension_numbers<[1], [1], [0], [0], [0, 0, 1, 0], [], []>, transpose_lhs_hint = false} : vector<128x64xf32>, vector<128x64xf32>, vector<128x128xf32> -> vector<128x128xf32>
    %dot_general3A_23 = arith.constant dense<0.000000e+00> : vector<128x128xf32>
    %dot_general3A_24 = tpu.matmul %slice3A, %slice3A_20, %dot_general3A_23 {dimension_numbers = #tpu.dot_dimension_numbers<[1], [1], [0], [0], [0, 0, 1, 0], [], []>, transpose_lhs_hint = false} : vector<128x64xf32>, vector<128x64xf32>, vector<128x128xf32> -> vector<128x128xf32>
    %concatenate3A = tpu.concatenate %dot_general3A_22, %dot_general3A_24 in 1 : vector<128x128xf32>, vector<128x128xf32> -> vector<128x256xf32>
    %slice3A_25 = vector.extract_strided_slice %dot_general3A_15 {offsets = [128, 0], sizes = [128, 64], strides = [1, 1]} : vector<1024x64xf32> to vector<128x64xf32>
    %slice3A_26 = vector.extract_strided_slice %dot_general3A_17 {offsets = [0, 0], sizes = [128, 64], strides = [1, 1]} : vector<1024x64xf32> to vector<128x64xf32>
    %slice3A_27 = vector.extract_strided_slice %dot_general3A_17 {offsets = [128, 0], sizes = [128, 64], strides = [1, 1]} : vector<1024x64xf32> to vector<128x64xf32>
    %dot_general3A_28 = arith.constant dense<0.000000e+00> : vector<128x128xf32>
    %dot_general3A_29 = tpu.matmul %slice3A_25, %slice3A_26, %dot_general3A_28 {dimension_numbers = #tpu.dot_dimension_numbers<[1], [1], [0], [0], [0, 0, 1, 0], [], []>, transpose_lhs_hint = false} : vector<128x64xf32>, vector<128x64xf32>, vector<128x128xf32> -> vector<128x128xf32>
    %dot_general3A_30 = arith.constant dense<0.000000e+00> : vector<128x128xf32>
    %dot_general3A_31 = tpu.matmul %slice3A_25, %slice3A_27, %dot_general3A_30 {dimension_numbers = #tpu.dot_dimension_numbers<[1], [1], [0], [0], [0, 0, 1, 0], [], []>, transpose_lhs_hint = false} : vector<128x64xf32>, vector<128x64xf32>, vector<128x128xf32> -> vector<128x128xf32>
    %concatenate3A_32 = tpu.concatenate %dot_general3A_29, %dot_general3A_31 in 1 : vector<128x128xf32>, vector<128x128xf32> -> vector<128x256xf32>
    %slice3A_33 = vector.extract_strided_slice %dot_general3A_15 {offsets = [256, 0], sizes = [128, 64], strides = [1, 1]} : vector<1024x64xf32> to vector<128x64xf32>
    %slice3A_34 = vector.extract_strided_slice %dot_general3A_17 {offsets = [128, 0], sizes = [128, 64], strides = [1, 1]} : vector<1024x64xf32> to vector<128x64xf32>
    %slice3A_35 = vector.extract_strided_slice %dot_general3A_17 {offsets = [256, 0], sizes = [128, 64], strides = [1, 1]} : vector<1024x64xf32> to vector<128x64xf32>
    %dot_general3A_36 = arith.constant dense<0.000000e+00> : vector<128x128xf32>
    %dot_general3A_37 = tpu.matmul %slice3A_33, %slice3A_34, %dot_general3A_36 {dimension_numbers = #tpu.dot_dimension_numbers<[1], [1], [0], [0], [0, 0, 1, 0], [], []>, transpose_lhs_hint = false} : vector<128x64xf32>, vector<128x64xf32>, vector<128x128xf32> -> vector<128x128xf32>
    %dot_general3A_38 = arith.constant dense<0.000000e+00> : vector<128x128xf32>
    %dot_general3A_39 = tpu.matmul %slice3A_33, %slice3A_35, %dot_general3A_38 {dimension_numbers = #tpu.dot_dimension_numbers<[1], [1], [0], [0], [0, 0, 1, 0], [], []>, transpose_lhs_hint = false} : vector<128x64xf32>, vector<128x64xf32>, vector<128x128xf32> -> vector<128x128xf32>
    %concatenate3A_40 = tpu.concatenate %dot_general3A_37, %dot_general3A_39 in 1 : vector<128x128xf32>, vector<128x128xf32> -> vector<128x256xf32>
    %slice3A_41 = vector.extract_strided_slice %dot_general3A_15 {offsets = [384, 0], sizes = [128, 64], strides = [1, 1]} : vector<1024x64xf32> to vector<128x64xf32>
    %slice3A_42 = vector.extract_strided_slice %dot_general3A_17 {offsets = [256, 0], sizes = [128, 64], strides = [1, 1]} : vector<1024x64xf32> to vector<128x64xf32>
    %slice3A_43 = vector.extract_strided_slice %dot_general3A_17 {offsets = [384, 0], sizes = [128, 64], strides = [1, 1]} : vector<1024x64xf32> to vector<128x64xf32>
    %dot_general3A_44 = arith.constant dense<0.000000e+00> : vector<128x128xf32>
    %dot_general3A_45 = tpu.matmul %slice3A_41, %slice3A_42, %dot_general3A_44 {dimension_numbers = #tpu.dot_dimension_numbers<[1], [1], [0], [0], [0, 0, 1, 0], [], []>, transpose_lhs_hint = false} : vector<128x64xf32>, vector<128x64xf32>, vector<128x128xf32> -> vector<128x128xf32>
    %dot_general3A_46 = arith.constant dense<0.000000e+00> : vector<128x128xf32>
    %dot_general3A_47 = tpu.matmul %slice3A_41, %slice3A_43, %dot_general3A_46 {dimension_numbers = #tpu.dot_dimension_numbers<[1], [1], [0], [0], [0, 0, 1, 0], [], []>, transpose_lhs_hint = false} : vector<128x64xf32>, vector<128x64xf32>, vector<128x128xf32> -> vector<128x128xf32>
    %concatenate3A_48 = tpu.concatenate %dot_general3A_45, %dot_general3A_47 in 1 : vector<128x128xf32>, vector<128x128xf32> -> vector<128x256xf32>
    %slice3A_49 = vector.extract_strided_slice %dot_general3A_15 {offsets = [512, 0], sizes = [128, 64], strides = [1, 1]} : vector<1024x64xf32> to vector<128x64xf32>
    %slice3A_50 = vector.extract_strided_slice %dot_general3A_17 {offsets = [384, 0], sizes = [128, 64], strides = [1, 1]} : vector<1024x64xf32> to vector<128x64xf32>
    %slice3A_51 = vector.extract_strided_slice %dot_general3A_17 {offsets = [512, 0], sizes = [128, 64], strides = [1, 1]} : vector<1024x64xf32> to vector<128x64xf32>
    %dot_general3A_52 = arith.constant dense<0.000000e+00> : vector<128x128xf32>
    %dot_general3A_53 = tpu.matmul %slice3A_49, %slice3A_50, %dot_general3A_52 {dimension_numbers = #tpu.dot_dimension_numbers<[1], [1], [0], [0], [0, 0, 1, 0], [], []>, transpose_lhs_hint = false} : vector<128x64xf32>, vector<128x64xf32>, vector<128x128xf32> -> vector<128x128xf32>
    %dot_general3A_54 = arith.constant dense<0.000000e+00> : vector<128x128xf32>
    %dot_general3A_55 = tpu.matmul %slice3A_49, %slice3A_51, %dot_general3A_54 {dimension_numbers = #tpu.dot_dimension_numbers<[1], [1], [0], [0], [0, 0, 1, 0], [], []>, transpose_lhs_hint = false} : vector<128x64xf32>, vector<128x64xf32>, vector<128x128xf32> -> vector<128x128xf32>
    %concatenate3A_56 = tpu.concatenate %dot_general3A_53, %dot_general3A_55 in 1 : vector<128x128xf32>, vector<128x128xf32> -> vector<128x256xf32>
    %slice3A_57 = vector.extract_strided_slice %dot_general3A_15 {offsets = [640, 0], sizes = [128, 64], strides = [1, 1]} : vector<1024x64xf32> to vector<128x64xf32>
    %slice3A_58 = vector.extract_strided_slice %dot_general3A_17 {offsets = [512, 0], sizes = [128, 64], strides = [1, 1]} : vector<1024x64xf32> to vector<128x64xf32>
    %slice3A_59 = vector.extract_strided_slice %dot_general3A_17 {offsets = [640, 0], sizes = [128, 64], strides = [1, 1]} : vector<1024x64xf32> to vector<128x64xf32>
    %dot_general3A_60 = arith.constant dense<0.000000e+00> : vector<128x128xf32>
    %dot_general3A_61 = tpu.matmul %slice3A_57, %slice3A_58, %dot_general3A_60 {dimension_numbers = #tpu.dot_dimension_numbers<[1], [1], [0], [0], [0, 0, 1, 0], [], []>, transpose_lhs_hint = false} : vector<128x64xf32>, vector<128x64xf32>, vector<128x128xf32> -> vector<128x128xf32>
    %dot_general3A_62 = arith.constant dense<0.000000e+00> : vector<128x128xf32>
    %dot_general3A_63 = tpu.matmul %slice3A_57, %slice3A_59, %dot_general3A_62 {dimension_numbers = #tpu.dot_dimension_numbers<[1], [1], [0], [0], [0, 0, 1, 0], [], []>, transpose_lhs_hint = false} : vector<128x64xf32>, vector<128x64xf32>, vector<128x128xf32> -> vector<128x128xf32>
    %concatenate3A_64 = tpu.concatenate %dot_general3A_61, %dot_general3A_63 in 1 : vector<128x128xf32>, vector<128x128xf32> -> vector<128x256xf32>
    %slice3A_65 = vector.extract_strided_slice %dot_general3A_15 {offsets = [768, 0], sizes = [128, 64], strides = [1, 1]} : vector<1024x64xf32> to vector<128x64xf32>
    %slice3A_66 = vector.extract_strided_slice %dot_general3A_17 {offsets = [640, 0], sizes = [128, 64], strides = [1, 1]} : vector<1024x64xf32> to vector<128x64xf32>
    %slice3A_67 = vector.extract_strided_slice %dot_general3A_17 {offsets = [768, 0], sizes = [128, 64], strides = [1, 1]} : vector<1024x64xf32> to vector<128x64xf32>
    %dot_general3A_68 = arith.constant dense<0.000000e+00> : vector<128x128xf32>
    %dot_general3A_69 = tpu.matmul %slice3A_65, %slice3A_66, %dot_general3A_68 {dimension_numbers = #tpu.dot_dimension_numbers<[1], [1], [0], [0], [0, 0, 1, 0], [], []>, transpose_lhs_hint = false} : vector<128x64xf32>, vector<128x64xf32>, vector<128x128xf32> -> vector<128x128xf32>
    %dot_general3A_70 = arith.constant dense<0.000000e+00> : vector<128x128xf32>
    %dot_general3A_71 = tpu.matmul %slice3A_65, %slice3A_67, %dot_general3A_70 {dimension_numbers = #tpu.dot_dimension_numbers<[1], [1], [0], [0], [0, 0, 1, 0], [], []>, transpose_lhs_hint = false} : vector<128x64xf32>, vector<128x64xf32>, vector<128x128xf32> -> vector<128x128xf32>
    %concatenate3A_72 = tpu.concatenate %dot_general3A_69, %dot_general3A_71 in 1 : vector<128x128xf32>, vector<128x128xf32> -> vector<128x256xf32>
    %slice3A_73 = vector.extract_strided_slice %dot_general3A_15 {offsets = [896, 0], sizes = [128, 64], strides = [1, 1]} : vector<1024x64xf32> to vector<128x64xf32>
    %slice3A_74 = vector.extract_strided_slice %dot_general3A_17 {offsets = [768, 0], sizes = [128, 64], strides = [1, 1]} : vector<1024x64xf32> to vector<128x64xf32>
    %slice3A_75 = vector.extract_strided_slice %dot_general3A_17 {offsets = [896, 0], sizes = [128, 64], strides = [1, 1]} : vector<1024x64xf32> to vector<128x64xf32>
    %dot_general3A_76 = arith.constant dense<0.000000e+00> : vector<128x128xf32>
    %dot_general3A_77 = tpu.matmul %slice3A_73, %slice3A_74, %dot_general3A_76 {dimension_numbers = #tpu.dot_dimension_numbers<[1], [1], [0], [0], [0, 0, 1, 0], [], []>, transpose_lhs_hint = false} : vector<128x64xf32>, vector<128x64xf32>, vector<128x128xf32> -> vector<128x128xf32>
    %dot_general3A_78 = arith.constant dense<0.000000e+00> : vector<128x128xf32>
    %dot_general3A_79 = tpu.matmul %slice3A_73, %slice3A_75, %dot_general3A_78 {dimension_numbers = #tpu.dot_dimension_numbers<[1], [1], [0], [0], [0, 0, 1, 0], [], []>, transpose_lhs_hint = false} : vector<128x64xf32>, vector<128x64xf32>, vector<128x128xf32> -> vector<128x128xf32>
    %concatenate3A_80 = tpu.concatenate %dot_general3A_77, %dot_general3A_79 in 1 : vector<128x128xf32>, vector<128x128xf32> -> vector<128x256xf32>
    %concatenate3A_81 = tpu.concatenate %concatenate3A, %concatenate3A_32, %concatenate3A_40, %concatenate3A_48, %concatenate3A_56, %concatenate3A_64, %concatenate3A_72, %concatenate3A_80 in 0 : vector<128x256xf32>, vector<128x256xf32>, vector<128x256xf32>, vector<128x256xf32>, vector<128x256xf32>, vector<128x256xf32>, vector<128x256xf32>, vector<128x256xf32> -> vector<1024x256xf32>
    %max3A = arith.constant 0.000000e+00 : f32
    %max3A_82 = vector.broadcast %max3A : f32 to vector<1024x256xf32>
    %max3A_83 = arith.maximumf %concatenate3A_81, %max3A_82 : vector<1024x256xf32>
    %iota3A = tpu.iota {dimensions = array<i32: 0>} : vector<1024x256xi32>
    %rem3A = arith.constant 128 : i32
    %rem3A_84 = vector.broadcast %rem3A : i32 to vector<1024x256xi32>
    %rem3A_85 = arith.remsi %iota3A, %rem3A_84 : vector<1024x256xi32>
    %iota3A_86 = tpu.iota {dimensions = array<i32: 1>} : vector<1024x256xi32>
    %mul3A = arith.constant 8 : i32
    %mul3A_87 = arith.muli %mul3A, %arg1 : i32
    %jit3A = arith.constant 128 : i32
    %div3A = vector.broadcast %jit3A : i32 to vector<1024x256xi32>
    %div3A_88 = arith.divsi %iota3A, %div3A : vector<1024x256xi32>
    %sign3A = arith.constant 0 : i32
    %sign3A_89 = vector.broadcast %sign3A : i32 to vector<1024x256xi32>
    %sign3A_90 = arith.cmpi sgt, %iota3A, %sign3A_89 : vector<1024x256xi32>
    %sign3A_91 = arith.extui %sign3A_90 : vector<1024x256xi1> to vector<1024x256xi32>
    %sign3A_92 = arith.constant 0 : i32
    %sign3A_93 = vector.broadcast %sign3A_92 : i32 to vector<1024x256xi32>
    %sign3A_94 = arith.cmpi slt, %iota3A, %sign3A_93 : vector<1024x256xi32>
    %sign3A_95 = arith.extui %sign3A_94 : vector<1024x256xi1> to vector<1024x256xi32>
    %sign3A_96 = arith.subi %sign3A_91, %sign3A_95 : vector<1024x256xi32>
    %sign3A_97 = arith.constant 0 : i32
    %sign3A_98 = arith.cmpi sgt, %jit3A, %sign3A_97 : i32
    %sign3A_99 = arith.extui %sign3A_98 : i1 to i32
    %sign3A_100 = arith.constant 0 : i32
    %sign3A_101 = arith.cmpi slt, %jit3A, %sign3A_100 : i32
    %sign3A_102 = arith.extui %sign3A_101 : i1 to i32
    %sign3A_103 = arith.subi %sign3A_99, %sign3A_102 : i32
    %ne3A = vector.broadcast %sign3A_103 : i32 to vector<1024x256xi32>
    %ne3A_104 = arith.cmpi ne, %sign3A_96, %ne3A : vector<1024x256xi32>
    %rem3A_105 = vector.broadcast %jit3A : i32 to vector<1024x256xi32>
    %rem3A_106 = arith.remsi %iota3A, %rem3A_105 : vector<1024x256xi32>
    %ne3A_107 = arith.constant 0 : i32
    %ne3A_108 = vector.broadcast %ne3A_107 : i32 to vector<1024x256xi32>
    %ne3A_109 = arith.cmpi ne, %rem3A_106, %ne3A_108 : vector<1024x256xi32>
    %and3A = arith.andi %ne3A_104, %ne3A_109 : vector<1024x256xi1>
    %sub3A = arith.constant 1 : i32
    %sub3A_110 = vector.broadcast %sub3A : i32 to vector<1024x256xi32>
    %sub3A_111 = arith.subi %div3A_88, %sub3A_110 : vector<1024x256xi32>
    %select_n3A = arith.select %and3A, %sub3A_111, %div3A_88 : vector<1024x256xi1>, vector<1024x256xi32>
    %add3A = vector.broadcast %mul3A_87 : i32 to vector<1024x256xi32>
    %add3A_112 = arith.addi %add3A, %select_n3A : vector<1024x256xi32>
    %add3A_113 = arith.constant 1 : i32
    %add3A_114 = vector.broadcast %add3A_113 : i32 to vector<1024x256xi32>
    %add3A_115 = arith.addi %rem3A_85, %add3A_114 : vector<1024x256xi32>
    %ge3A = arith.cmpi sge, %iota3A_86, %add3A_115 : vector<1024x256xi32>
    %add3A_116 = arith.constant 128 : i32
    %add3A_117 = vector.broadcast %add3A_116 : i32 to vector<1024x256xi32>
    %add3A_118 = arith.addi %rem3A_85, %add3A_117 : vector<1024x256xi32>
    %le3A = arith.cmpi sle, %iota3A_86, %add3A_118 : vector<1024x256xi32>
    %and3A_119 = arith.andi %ge3A, %le3A : vector<1024x256xi1>
    %sub3A_120 = arith.constant 1 : i32
    %sub3A_121 = vector.broadcast %sub3A_120 : i32 to vector<1024x256xi32>
    %sub3A_122 = arith.subi %add3A_112, %sub3A_121 : vector<1024x256xi32>
    %mul3A_123 = arith.constant 128 : i32
    %mul3A_124 = vector.broadcast %mul3A_123 : i32 to vector<1024x256xi32>
    %mul3A_125 = arith.muli %mul3A_124, %sub3A_122 : vector<1024x256xi32>
    %add3A_126 = arith.addi %mul3A_125, %iota3A_86 : vector<1024x256xi32>
    %ge3A_127 = arith.constant 0 : i32
    %ge3A_128 = vector.broadcast %ge3A_127 : i32 to vector<1024x256xi32>
    %ge3A_129 = arith.cmpi sge, %add3A_126, %ge3A_128 : vector<1024x256xi32>
    %and3A_130 = arith.andi %and3A_119, %ge3A_129 : vector<1024x256xi1>
    %jit3A_131 = arith.constant -1.000000e+00 : f32
    %broadcast_in_dim3A = vector.broadcast %jit3A_131 : f32 to vector<1024x256xf32>
    %select_n3A_132 = arith.select %and3A_130, %max3A_83, %broadcast_in_dim3A : vector<1024x256xi1>, vector<1024x256xf32>
    %slice3A_133 = vector.extract_strided_slice %add3A_112 {offsets = [0, 0], sizes = [1024, 1], strides = [1, 1]} : vector<1024x256xi32> to vector<1024x1xi32>
    %mul3A_134 = arith.constant 128 : i32
    %mul3A_135 = vector.broadcast %mul3A_134 : i32 to vector<1024x1xi32>
    %mul3A_136 = arith.muli %mul3A_135, %slice3A_133 : vector<1024x1xi32>
    %slice3A_137 = vector.extract_strided_slice %rem3A_85 {offsets = [0, 0], sizes = [1024, 1], strides = [1, 1]} : vector<1024x256xi32> to vector<1024x1xi32>
    %add3A_138 = arith.addi %mul3A_136, %slice3A_137 : vector<1024x1xi32>
    %add3A_139 = arith.constant 1 : i32
    %add3A_140 = vector.broadcast %add3A_139 : i32 to vector<1024x1xi32>
    %add3A_141 = arith.addi %add3A_138, %add3A_140 : vector<1024x1xi32>
    %min3A = arith.constant 128 : i32
    %min3A_142 = vector.broadcast %min3A : i32 to vector<1024x1xi32>
    %min3A_143 = arith.minsi %add3A_141, %min3A_142 : vector<1024x1xi32>
    %jit3A_144 = arith.constant 2 : i32
    %div3A_145 = vector.broadcast %jit3A_144 : i32 to vector<1024x1xi32>
    %div3A_146 = arith.divsi %min3A_143, %div3A_145 : vector<1024x1xi32>
    %sign3A_147 = arith.constant 0 : i32
    %sign3A_148 = vector.broadcast %sign3A_147 : i32 to vector<1024x1xi32>
    %sign3A_149 = arith.cmpi sgt, %min3A_143, %sign3A_148 : vector<1024x1xi32>
    %sign3A_150 = arith.extui %sign3A_149 : vector<1024x1xi1> to vector<1024x1xi32>
    %sign3A_151 = arith.constant 0 : i32
    %sign3A_152 = vector.broadcast %sign3A_151 : i32 to vector<1024x1xi32>
    %sign3A_153 = arith.cmpi slt, %min3A_143, %sign3A_152 : vector<1024x1xi32>
    %sign3A_154 = arith.extui %sign3A_153 : vector<1024x1xi1> to vector<1024x1xi32>
    %sign3A_155 = arith.subi %sign3A_150, %sign3A_154 : vector<1024x1xi32>
    %sign3A_156 = arith.constant 0 : i32
    %sign3A_157 = arith.cmpi sgt, %jit3A_144, %sign3A_156 : i32
    %sign3A_158 = arith.extui %sign3A_157 : i1 to i32
    %sign3A_159 = arith.constant 0 : i32
    %sign3A_160 = arith.cmpi slt, %jit3A_144, %sign3A_159 : i32
    %sign3A_161 = arith.extui %sign3A_160 : i1 to i32
    %sign3A_162 = arith.subi %sign3A_158, %sign3A_161 : i32
    %ne3A_163 = vector.broadcast %sign3A_162 : i32 to vector<1024x1xi32>
    %ne3A_164 = arith.cmpi ne, %sign3A_155, %ne3A_163 : vector<1024x1xi32>
    %rem3A_165 = vector.broadcast %jit3A_144 : i32 to vector<1024x1xi32>
    %rem3A_166 = arith.remsi %min3A_143, %rem3A_165 : vector<1024x1xi32>
    %ne3A_167 = arith.constant 0 : i32
    %ne3A_168 = vector.broadcast %ne3A_167 : i32 to vector<1024x1xi32>
    %ne3A_169 = arith.cmpi ne, %rem3A_166, %ne3A_168 : vector<1024x1xi32>
    %and3A_170 = arith.andi %ne3A_164, %ne3A_169 : vector<1024x1xi1>
    %sub3A_171 = arith.constant 1 : i32
    %sub3A_172 = vector.broadcast %sub3A_171 : i32 to vector<1024x1xi32>
    %sub3A_173 = arith.subi %div3A_146, %sub3A_172 : vector<1024x1xi32>
    %select_n3A_174 = arith.select %and3A_170, %sub3A_173, %div3A_146 : vector<1024x1xi1>, vector<1024x1xi32>
    %max3A_175 = arith.constant 1 : i32
    %max3A_176 = vector.broadcast %max3A_175 : i32 to vector<1024x1xi32>
    %max3A_177 = arith.maxsi %max3A_176, %select_n3A_174 : vector<1024x1xi32>
    %convert_element_type3A = arith.sitofp %max3A_177 : vector<1024x1xi32> to vector<1024x1xf32>
    %add3A_178 = arith.constant 0.000000e+00 : f32
    %add3A_179 = vector.broadcast %add3A_178 : f32 to vector<1024x256xf32>
    %add3A_180 = arith.addf %select_n3A_132, %add3A_179 : vector<1024x256xf32>
    %bitcast_convert_type3A = tpu.bitcast %add3A_180 : vector<1024x256xf32> -> vector<1024x256xi32>
    %broadcast_in_dim3A_181 = arith.constant 0 : i32
    %broadcast_in_dim3A_182 = vector.broadcast %broadcast_in_dim3A_181 : i32 to vector<1024x1xi32>
    %broadcast_in_dim3A_183 = arith.constant 2139095040 : i32
    %broadcast_in_dim3A_184 = vector.broadcast %broadcast_in_dim3A_183 : i32 to vector<1024x1xi32>
    %scan3A = arith.constant 0 : i32
    %scan3A_185 = arith.constant 31 : i32
    %scan3A_186 = arith.addi %scan3A, %scan3A_185 : i32
    %scan3A_187 = arith.constant 1 : i32
    %scan3A_188:2 = scf.for %scan3A_270 = %scan3A to %scan3A_186 step %scan3A_187 iter_args(%scan3A_271 = %broadcast_in_dim3A_182, %scan3A_272 = %broadcast_in_dim3A_184) -> (vector<1024x1xi32>, vector<1024x1xi32>)  : i32 {
      %sub3A_273 = arith.subi %scan3A_272, %scan3A_271 : vector<1024x1xi32>
      %add3A_274 = arith.constant 1 : i32
      %add3A_275 = vector.broadcast %add3A_274 : i32 to vector<1024x1xi32>
      %add3A_276 = arith.addi %sub3A_273, %add3A_275 : vector<1024x1xi32>
      %shift_right_logical3A = arith.constant 1 : i32
      %shift_right_logical3A_277 = vector.broadcast %shift_right_logical3A : i32 to vector<1024x1xi32>
      %shift_right_logical3A_278 = arith.shrui %add3A_276, %shift_right_logical3A_277 : vector<1024x1xi32>
      %add3A_279 = arith.addi %scan3A_271, %shift_right_logical3A_278 : vector<1024x1xi32>
      %ge3A_280 = vector.broadcast %add3A_279 : vector<1024x1xi32> to vector<1024x256xi32>
      %ge3A_281 = arith.cmpi sge, %bitcast_convert_type3A, %ge3A_280 : vector<1024x256xi32>
      %convert_element_type3A_282 = arith.extui %ge3A_281 : vector<1024x256xi1> to vector<1024x256xi32>
      %convert_element_type3A_283 = arith.sitofp %convert_element_type3A_282 : vector<1024x256xi32> to vector<1024x256xf32>
      %reduce_sum3A_284 = arith.constant dense<0.000000e+00> : vector<1024xf32>
      %reduce_sum3A_285 = vector.multi_reduction <add>, %convert_element_type3A_283, %reduce_sum3A_284 [1] : vector<1024x256xf32> to vector<1024xf32>
      %broadcast_in_dim3A_286 = vector.shape_cast %reduce_sum3A_285 : vector<1024xf32> to vector<1024x1xf32>
      %ge3A_287 = arith.cmpf oge, %broadcast_in_dim3A_286, %convert_element_type3A : vector<1024x1xf32>
      %select_n3A_288 = arith.select %ge3A_287, %add3A_279, %scan3A_271 : vector<1024x1xi1>, vector<1024x1xi32>
      %sub3A_289 = arith.constant 1 : i32
      %sub3A_290 = vector.broadcast %sub3A_289 : i32 to vector<1024x1xi32>
      %sub3A_291 = arith.subi %add3A_279, %sub3A_290 : vector<1024x1xi32>
      %select_n3A_292 = arith.select %ge3A_287, %scan3A_272, %sub3A_291 : vector<1024x1xi1>, vector<1024x1xi32>
      scf.yield %select_n3A_288, %select_n3A_292 : vector<1024x1xi32>, vector<1024x1xi32>
    }
    %gt3A = vector.broadcast %scan3A_188#0 : vector<1024x1xi32> to vector<1024x256xi32>
    %gt3A_189 = arith.cmpi sgt, %bitcast_convert_type3A, %gt3A : vector<1024x256xi32>
    %eq3A = vector.broadcast %scan3A_188#0 : vector<1024x1xi32> to vector<1024x256xi32>
    %eq3A_190 = arith.cmpi eq, %bitcast_convert_type3A, %eq3A : vector<1024x256xi32>
    %jit3A_191 = arith.constant 1.000000e+00 : f32
    %jit3A_192 = arith.constant 0.000000e+00 : f32
    %broadcast_in_dim3A_193 = vector.broadcast %jit3A_191 : f32 to vector<1024x256xf32>
    %broadcast_in_dim3A_194 = vector.broadcast %jit3A_192 : f32 to vector<1024x256xf32>
    %select_n3A_195 = arith.select %eq3A_190, %broadcast_in_dim3A_193, %broadcast_in_dim3A_194 : vector<1024x256xi1>, vector<1024x256xf32>
    %convert_element_type3A_196 = arith.extui %gt3A_189 : vector<1024x256xi1> to vector<1024x256xi32>
    %convert_element_type3A_197 = arith.sitofp %convert_element_type3A_196 : vector<1024x256xi32> to vector<1024x256xf32>
    %reduce_sum3A = arith.constant dense<0.000000e+00> : vector<1024xf32>
    %reduce_sum3A_198 = vector.multi_reduction <add>, %convert_element_type3A_197, %reduce_sum3A [1] : vector<1024x256xf32> to vector<1024xf32>
    %broadcast_in_dim3A_199 = vector.shape_cast %reduce_sum3A_198 : vector<1024xf32> to vector<1024x1xf32>
    %sub3A_200 = arith.subf %convert_element_type3A, %broadcast_in_dim3A_199 : vector<1024x1xf32>
    %broadcast_in_dim3A_201 = arith.constant 0.000000e+00 : f32
    %broadcast_in_dim3A_202 = vector.broadcast %broadcast_in_dim3A_201 : f32 to vector<1024x1xf32>
    %slice3A_203 = vector.extract_strided_slice %select_n3A_195 {offsets = [0, 0], sizes = [1024, 255], strides = [1, 1]} : vector<1024x256xf32> to vector<1024x255xf32>
    %concatenate3A_204 = tpu.concatenate %broadcast_in_dim3A_202, %slice3A_203 in 1 : vector<1024x1xf32>, vector<1024x255xf32> -> vector<1024x256xf32>
    %add3A_205 = arith.addf %select_n3A_195, %concatenate3A_204 : vector<1024x256xf32>
    %broadcast_in_dim3A_206 = arith.constant 0.000000e+00 : f32
    %broadcast_in_dim3A_207 = vector.broadcast %broadcast_in_dim3A_206 : f32 to vector<1024x2xf32>
    %slice3A_208 = vector.extract_strided_slice %add3A_205 {offsets = [0, 0], sizes = [1024, 254], strides = [1, 1]} : vector<1024x256xf32> to vector<1024x254xf32>
    %concatenate3A_209 = tpu.concatenate %broadcast_in_dim3A_207, %slice3A_208 in 1 : vector<1024x2xf32>, vector<1024x254xf32> -> vector<1024x256xf32>
    %add3A_210 = arith.addf %add3A_205, %concatenate3A_209 : vector<1024x256xf32>
    %broadcast_in_dim3A_211 = arith.constant 0.000000e+00 : f32
    %broadcast_in_dim3A_212 = vector.broadcast %broadcast_in_dim3A_211 : f32 to vector<1024x4xf32>
    %slice3A_213 = vector.extract_strided_slice %add3A_210 {offsets = [0, 0], sizes = [1024, 252], strides = [1, 1]} : vector<1024x256xf32> to vector<1024x252xf32>
    %concatenate3A_214 = tpu.concatenate %broadcast_in_dim3A_212, %slice3A_213 in 1 : vector<1024x4xf32>, vector<1024x252xf32> -> vector<1024x256xf32>
    %add3A_215 = arith.addf %add3A_210, %concatenate3A_214 : vector<1024x256xf32>
    %broadcast_in_dim3A_216 = arith.constant 0.000000e+00 : f32
    %broadcast_in_dim3A_217 = vector.broadcast %broadcast_in_dim3A_216 : f32 to vector<1024x8xf32>
    %slice3A_218 = vector.extract_strided_slice %add3A_215 {offsets = [0, 0], sizes = [1024, 248], strides = [1, 1]} : vector<1024x256xf32> to vector<1024x248xf32>
    %concatenate3A_219 = tpu.concatenate %broadcast_in_dim3A_217, %slice3A_218 in 1 : vector<1024x8xf32>, vector<1024x248xf32> -> vector<1024x256xf32>
    %add3A_220 = arith.addf %add3A_215, %concatenate3A_219 : vector<1024x256xf32>
    %broadcast_in_dim3A_221 = arith.constant 0.000000e+00 : f32
    %broadcast_in_dim3A_222 = vector.broadcast %broadcast_in_dim3A_221 : f32 to vector<1024x16xf32>
    %slice3A_223 = vector.extract_strided_slice %add3A_220 {offsets = [0, 0], sizes = [1024, 240], strides = [1, 1]} : vector<1024x256xf32> to vector<1024x240xf32>
    %concatenate3A_224 = tpu.concatenate %broadcast_in_dim3A_222, %slice3A_223 in 1 : vector<1024x16xf32>, vector<1024x240xf32> -> vector<1024x256xf32>
    %add3A_225 = arith.addf %add3A_220, %concatenate3A_224 : vector<1024x256xf32>
    %broadcast_in_dim3A_226 = arith.constant 0.000000e+00 : f32
    %broadcast_in_dim3A_227 = vector.broadcast %broadcast_in_dim3A_226 : f32 to vector<1024x32xf32>
    %slice3A_228 = vector.extract_strided_slice %add3A_225 {offsets = [0, 0], sizes = [1024, 224], strides = [1, 1]} : vector<1024x256xf32> to vector<1024x224xf32>
    %concatenate3A_229 = tpu.concatenate %broadcast_in_dim3A_227, %slice3A_228 in 1 : vector<1024x32xf32>, vector<1024x224xf32> -> vector<1024x256xf32>
    %add3A_230 = arith.addf %add3A_225, %concatenate3A_229 : vector<1024x256xf32>
    %broadcast_in_dim3A_231 = arith.constant 0.000000e+00 : f32
    %broadcast_in_dim3A_232 = vector.broadcast %broadcast_in_dim3A_231 : f32 to vector<1024x64xf32>
    %slice3A_233 = vector.extract_strided_slice %add3A_230 {offsets = [0, 0], sizes = [1024, 192], strides = [1, 1]} : vector<1024x256xf32> to vector<1024x192xf32>
    %concatenate3A_234 = tpu.concatenate %broadcast_in_dim3A_232, %slice3A_233 in 1 : vector<1024x64xf32>, vector<1024x192xf32> -> vector<1024x256xf32>
    %add3A_235 = arith.addf %add3A_230, %concatenate3A_234 : vector<1024x256xf32>
    %broadcast_in_dim3A_236 = arith.constant 0.000000e+00 : f32
    %broadcast_in_dim3A_237 = vector.broadcast %broadcast_in_dim3A_236 : f32 to vector<1024x128xf32>
    %slice3A_238 = vector.extract_strided_slice %add3A_235 {offsets = [0, 0], sizes = [1024, 128], strides = [1, 1]} : vector<1024x256xf32> to vector<1024x128xf32>
    %concatenate3A_239 = tpu.concatenate %broadcast_in_dim3A_237, %slice3A_238 in 1 : vector<1024x128xf32>, vector<1024x128xf32> -> vector<1024x256xf32>
    %add3A_240 = arith.addf %add3A_235, %concatenate3A_239 : vector<1024x256xf32>
    %sub3A_241 = arith.subf %add3A_240, %select_n3A_195 : vector<1024x256xf32>
    %ge3A_242 = arith.constant 0.000000e+00 : f32
    %ge3A_243 = vector.broadcast %ge3A_242 : f32 to vector<1024x256xf32>
    %ge3A_244 = arith.cmpf oge, %select_n3A_132, %ge3A_243 : vector<1024x256xf32>
    %gt3A_245 = arith.constant 5.000000e-01 : f32
    %gt3A_246 = vector.broadcast %gt3A_245 : f32 to vector<1024x256xf32>
    %gt3A_247 = arith.cmpf ogt, %select_n3A_195, %gt3A_246 : vector<1024x256xf32>
    %lt3A = vector.broadcast %sub3A_200 : vector<1024x1xf32> to vector<1024x256xf32>
    %lt3A_248 = arith.cmpf olt, %sub3A_241, %lt3A : vector<1024x256xf32>
    %and3A_249 = arith.andi %gt3A_247, %lt3A_248 : vector<1024x256xi1>
    %or3A = arith.ori %gt3A_189, %and3A_249 : vector<1024x256xi1>
    %and3A_250 = arith.andi %ge3A_244, %or3A : vector<1024x256xi1>
    %jit3A_251 = arith.constant 0.000000e+00 : f32
    %jit3A_252 = arith.constant 0xFF800000 : f32
    %broadcast_in_dim3A_253 = vector.broadcast %jit3A_251 : f32 to vector<1024x256xf32>
    %broadcast_in_dim3A_254 = vector.broadcast %jit3A_252 : f32 to vector<1024x256xf32>
    %select_n3A_255 = arith.select %and3A_250, %broadcast_in_dim3A_253, %broadcast_in_dim3A_254 : vector<1024x256xi1>, vector<1024x256xf32>
    %slice3A_256 = vector.extract_strided_slice %select_n3A_255 {offsets = [0, 0], sizes = [128, 256], strides = [1, 1]} : vector<1024x256xf32> to vector<128x256xf32>
    %slice3A_257 = vector.extract_strided_slice %slice3A_256 {offsets = [0, 128], sizes = [128, 128], strides = [1, 1]} : vector<128x256xf32> to vector<128x128xf32>
    %broadcast_in_dim3A_258 = arith.constant 0xFF800000 : f32
    %broadcast_in_dim3A_259 = vector.broadcast %broadcast_in_dim3A_258 : f32 to vector<128x128xf32>
    %concatenate3A_260 = tpu.concatenate %slice3A_257, %broadcast_in_dim3A_259 in 1 : vector<128x128xf32>, vector<128x128xf32> -> vector<128x256xf32>
    %eq3A_261 = arith.constant 0 : i32
    %eq3A_262 = arith.cmpi eq, %arg1, %eq3A_261 : i32
    %select_n3A_263 = arith.select %eq3A_262, %concatenate3A_260, %slice3A_256 : vector<128x256xf32>
    %swap3A = arith.constant 0 : index
    %swap3A_264 = arith.constant 0 : index
    %swap3A_265 = vector.load %arg6[%swap3A, %swap3A_264] : memref<1024x256xf32, #tpu.memory_space<vmem>>, vector<128x256xf32>
    tpu.vector_store %arg6[%swap3A, %swap3A_264], %select_n3A_263 {strides = array<i32>} : memref<1024x256xf32, #tpu.memory_space<vmem>>, vector<128x256xf32>,
    %slice3A_266 = vector.extract_strided_slice %select_n3A_255 {offsets = [128, 0], sizes = [896, 256], strides = [1, 1]} : vector<1024x256xf32> to vector<896x256xf32>
    %swap3A_267 = arith.constant 128 : index
    %swap3A_268 = arith.constant 0 : index
    %swap3A_269 = vector.load %arg6[%swap3A_267, %swap3A_268] : memref<1024x256xf32, #tpu.memory_space<vmem>>, vector<896x256xf32>
    tpu.vector_store %arg6[%swap3A_267, %swap3A_268], %slice3A_266 {strides = array<i32>} : memref<1024x256xf32, #tpu.memory_space<vmem>>, vector<896x256xf32>,
    return
  }
  func.func @transform_0(%arg0: i32, %arg1: i32) -> (i32, i32, i32) {
    %c0_i32 = arith.constant 0 : i32
    %c0_i32_0 = arith.constant 0 : i32
    return %arg0, %arg1, %c0_i32 : i32, i32, i32
  }
  func.func @transform_1(%arg0: i32, %arg1: i32) -> (i32, i32, i32) {
    %mul3A = arith.constant 8 : i32
    %mul3A_0 = arith.muli %mul3A, %arg1 : i32
    %sub3A = arith.constant 1 : i32
    %sub3A_1 = arith.subi %mul3A_0, %sub3A : i32
    %max3A = arith.constant 0 : i32
    %max3A_2 = arith.maxsi %sub3A_1, %max3A : i32
    %c0_i32 = arith.constant 0 : i32
    %c0_i32_3 = arith.constant 0 : i32
    return %arg0, %max3A_2, %c0_i32 : i32, i32, i32
  }
  func.func @transform_2(%arg0: i32, %arg1: i32) -> (i32, i32) {
    %c0_i32 = arith.constant 0 : i32
    %c0_i32_0 = arith.constant 0 : i32
    %c0_i32_1 = arith.constant 0 : i32
    return %c0_i32, %c0_i32_0 : i32, i32
  }
  func.func @transform_3(%arg0: i32, %arg1: i32) -> (i32, i32) {
    %c0_i32 = arith.constant 0 : i32
    %c0_i32_0 = arith.constant 0 : i32
    %c0_i32_1 = arith.constant 0 : i32
    return %c0_i32, %c0_i32_0 : i32, i32
  }
  func.func @transform_4(%arg0: i32, %arg1: i32) -> (i32, i32) {
    %mul3A = arith.constant 2 : i32
    %mul3A_0 = arith.muli %arg0, %mul3A : i32
    %add3A = arith.addi %mul3A_0, %arg1 : i32
    %c0_i32 = arith.constant 0 : i32
    %c0_i32_1 = arith.constant 0 : i32
    return %add3A, %c0_i32 : i32, i32
  }
}

</mosaic_0001>

<sc_bundles>
// kernel: kernel.4.cloned.1.call-start
scs
__scs_entry_jumppad:
0x0: {  	(pc) =	sbr.rel $0x88, $3  }
0x1: {  	(tag) =	ssettag $0x0;
	lr =	simm.s32 $0x1  }
0x2: {  	[smem:$0x3F9E] =	sst lr;
	_ =	strace $0xD0000000  }
0x3: {  	_ = 	snop  }
0x4: {  	_ = 	snop  }
0x5: {  	_ = 	snop  }
0x6: {  	_ = 	snop  }
0x7: {  	_ = 	snop  }
__scs_overlays_trampoline_lowered:
0x8: {  	[smem:$0x3FAD] =	sst s0  }
0x9: {  	[smem:$0x3FAE] =	sst s1  }
0xa: {  	[smem:$0x3FAF] =	sst s2  }
0xb: {  	[smem:$0x3FB0] =	sst s3  }
0xc: {  	[smem:$0x3FB1] =	sst s4  }
0xd: {  	[smem:$0x3FB2] =	sst s5  }
0xe: {  	[smem:$0x3FB3] =	sst s6  }
0xf: {  	[smem:$0x3FB4] =	sst s7  }
0x10: {  	[smem:$0x3FB5] =	sst s8  }
0x11: {  	[smem:$0x3FB6] =	sst s9;
	s0 =	simm.s32 @!p0 $0x0  }
0x12: {  	s1 =	sld [smem:$0x3F9C];
	s0 =	simm.s32 @p0 $0x1  }
0x13: {  	[smem:$0x3FB7] =	sst s0;
	s0 =	simm.s32 @!p1 $0x0  }
0x14: {  	s2 =	sld [smem:$0x3F9B];
	s0 =	simm.s32 @p1 $0x1  }
0x15: {  	[smem:$0x3FB8] =	sst s0;
	s0 =	simm.s32 @!p2 $0x0  }
0x16: {  	s3 =	sld [smem:$0x3FDB];
	s0 =	simm.s32 @p2 $0x1  }
0x17: {  	s4 =	simm.s32 $0x1BF5;
	[smem:$0x3FBA] =	sst s0  }
0x18: {  	s0 =	sld [smem:$0x3F9D];
	_ =	swait.ge [sflag:s4], $0x0  }
0x19: {  	s7 =	sld [smem:$0x3F9E]  }
0x1a: {  	s8 =	sadd.s32 $0xFFFFE003, lr  }
0x1b: {  	s9 =	sadd.s32 $0xFFFFFEF7, lr;
	s5 =	simm.s32 $0xFFFFFFFF;
	p2 =	slt.u32 s8, $0xFFFFF086  }
0x1c: {  	p1 =	slt.u32 s9, $0xF7A;
	s5 =	simm.s32 @!p2 $0x0  }
0x1d: {  	s5 =	simm.s32 @p1 $0x1;
	p0 =	seq.s32 s7, s2  }
0x1e: {  	s7 =	smul.u32 @!p0 $0xF7A, s2;
	p2 =	seq.s32 @!p0 s5, $0x0  }
0x1f: {  	s9 =	smul.u32 $0xF7A, s1;
	s8 =	simm.s32 @!p0 $0x1BF5;
	p2 =	por !p2, p0  }
0x20: {  	[sflag:s8] =	ssyncset.s32 @!p0 $0xFFFFF086;
	s6 =	sadd.s32 @!p0 s3, s7;
	s7 =	simm.s32 @!p0 $0x108  }
0x21: {  	s3 =	sadd.s32 s3, s9;
	s6 =	sadd.s32 @!p0 $0x88, s6;
	s7 =	simm.s32 @p2 $0x1082  }
0x22: {  	[simem:s7], [sflag:s8] =	dma.local @!p0 [hbm:s6], $0xF7A  }
0x23: {  	s9 =	sor.u32 $0xD0000000, s2;
	s6 =	simm.s32 $0x108;
	_ =	swait.ge @!p0 [sflag:s8], $0x0  }
0x24: {  	s3 =	sadd.s32 $0x88, s3;
	s6 =	simm.s32 @!p1 $0x1082;
	[sflag:s4] =	ssyncset.s32 $0xFFFFF086  }
0x25: {  	[simem:s6], [sflag:s4] =	dma.local [hbm:s3], $0xF7A  }
0x26: {  	[smem:$0x3F9E] =	sst s1;
	(tag) =	ssettag s2;
	_ =	strace s9  }
0x27: {  	s1 =	sld [smem:$0x3FAE]  }
0x28: {  	s2 =	sld [smem:$0x3FAF]  }
0x29: {  	s4 =	sld [smem:$0x3FB1]  }
0x2a: {  	p0 =	seq.s32 s5, $0x0;
	s5 =	sld [smem:$0x3FB2]  }
0x2b: {  	s6 =	sld [smem:$0x3FB3]  }
0x2c: {  	s7 =	sld [smem:$0x3FB4]  }
0x2d: {  	s3 =	simm.s32 $0x108;
	s8 =	sld [smem:$0x3FB5]  }
0x2e: {  	s3 =	simm.s32 @!p0 $0x1082;
	s9 =	sld [smem:$0x3FB6]  }
0x2f: {  	lr =	sadd.s32 s0, s3;
	s0 =	sld [smem:$0x3FAD]  }
0x30: {  	s3 =	sld [smem:$0x3FB0]  }
0x31: {  	[smem:$0x3FB9] =	sst s10  }
0x32: {  	s10 =	sld [smem:$0x3FB7];
	_ =	sdelay $0x3  }
0x33: {  	p0 =	seq.s32 s10, $0x1;
	s10 =	sld [smem:$0x3FB9];
	_ =	sdelay $0x3  }
0x34: {  	[smem:$0x3FB9] =	sst s10  }
0x35: {  	s10 =	sld [smem:$0x3FB8];
	_ =	sdelay $0x3  }
0x36: {  	p1 =	seq.s32 s10, $0x1;
	s10 =	sld [smem:$0x3FB9];
	_ =	sdelay $0x3  }
0x37: {  	[smem:$0x3FB9] =	sst s10  }
0x38: {  	s10 =	sld [smem:$0x3FBA]  }
0x39: {  	_ = 	snop;
	(pc) =	sbr.ind lr, $3  }
0x3a: {  	_ = 	snop  }
0x3b: {  	_ = 	snop  }
0x3c: {  	p2 =	seq.s32 s10, $0x1;
	s10 =	sld [smem:$0x3FB9]  }
0x3d: {  	_ =	shalt  }
0x3e: {  	_ =	shalt  }
0x3f: {  	_ =	shalt  }
0x40: {  	_ =	shalt  }
0x41: {  	_ =	shalt  }
0x42: {  	_ =	shalt  }
0x43: {  	_ =	shalt  }
0x44: {  	_ =	shalt  }
0x45: {  	_ =	shalt  }
0x46: {  	_ =	shalt  }
0x47: {  	_ =	shalt  }
0x48: {  	_ =	shalt  }
0x49: {  	_ =	shalt  }
0x4a: {  	_ =	shalt  }
0x4b: {  	_ =	shalt  }
0x4c: {  	_ =	shalt  }
0x4d: {  	_ =	shalt  }
0x4e: {  	_ =	shalt  }
0x4f: {  	_ =	shalt  }
0x50: {  	_ =	shalt  }
0x51: {  	_ =	shalt  }
0x52: {  	_ =	shalt  }
0x53: {  	_ =	shalt  }
0x54: {  	_ =	shalt  }
0x55: {  	_ =	shalt  }
0x56: {  	_ =	shalt  }
0x57: {  	_ =	shalt  }
0x58: {  	_ =	shalt  }
0x59: {  	_ =	shalt  }
0x5a: {  	_ =	shalt  }
0x5b: {  	_ =	shalt  }
0x5c: {  	_ =	shalt  }
0x5d: {  	_ =	shalt  }
0x5e: {  	_ =	shalt  }
0x5f: {  	_ =	shalt  }
0x60: {  	_ =	shalt  }
0x61: {  	_ =	shalt  }
0x62: {  	_ =	shalt  }
0x63: {  	_ =	shalt  }
0x64: {  	_ =	shalt  }
0x65: {  	_ =	shalt  }
0x66: {  	_ =	shalt  }
0x67: {  	_ =	shalt  }
0x68: {  	_ =	shalt  }
0x69: {  	_ =	shalt  }
0x6a: {  	_ =	shalt  }
0x6b: {  	_ =	shalt  }
0x6c: {  	_ =	shalt  }
0x6d: {  	_ =	shalt  }
0x6e: {  	_ =	shalt  }
0x6f: {  	_ =	shalt  }
0x70: {  	_ =	shalt  }
0x71: {  	_ =	shalt  }
0x72: {  	_ =	shalt  }
0x73: {  	_ =	shalt  }
0x74: {  	_ =	shalt  }
0x75: {  	_ =	shalt  }
0x76: {  	_ =	shalt  }
0x77: {  	_ =	shalt  }
0x78: {  	_ =	shalt  }
0x79: {  	_ =	shalt  }
0x7a: {  	_ =	shalt  }
0x7b: {  	_ =	shalt  }
0x7c: {  	_ =	shalt  }
0x7d: {  	_ =	shalt  }
0x7e: {  	_ =	shalt  }
0x7f: {  	_ =	shalt  }
0x80: {  	_ =	shalt  }
0x81: {  	_ =	shalt  }
0x82: {  	_ =	shalt  }
0x83: {  	_ =	shalt  }
0x84: {  	_ =	shalt  }
0x85: {  	_ =	shalt  }
0x86: {  	_ =	shalt  }
0x87: {  	_ =	shalt  }
.Lfunc_end0:
.L_simem_size_0:
called_computation_lowered:
.L_overlay_start_0:
0x88: {  	s2 =	sld [smem:$0x3FD9]  }
0x89: {  	s3 =	sld [smem:$0x3FFE];
	_ =	sdelay $0x1  }
0x8a: {  	s1 =	srdreg.scid  }
0x8b: {  	s0 =	sand.u32 $0x1, s1  }
0x8c: {  	s17 =	sshll.u32 s0, $0xA;
	s2 =	sadd.s32 s3, s2  }
0x8d: {  	s2 =	sadd.s32 s2, s17  }
0x8e: {  	[smem:$0x3FC5] =	sst s2  }
0x8f: {  	_ = 	snop  }
0x90: {  	s2 =	sld [smem:$0x3FD0];
	(tm) =	ssettm $0x1  }
0x91: {  	s18 =	sld [smem:$0x3FFB];
	_ =	sdelay $0x3  }
0x92: {  	_ =	strace s18  }
0x93: {  	s3 =	sld [smem:$0x3FFC];
	_ =	sdelay $0x3  }
0x94: {  	_ =	strace s3  }
0x95: {  	s3 =	sld [smem:$0x3FFD];
	_ =	sdelay $0x3  }
0x96: {  	_ =	strace s3  }
0x97: {  	_ =	strace $0x8FFFFFFF  }
0x98: {  	s19 =	sld [smem:$0x3FDB];
	_ =	sdelay $0x1  }
0x99: {  	s4 =	simm.s32 $_scs_section_size  }
0x9a: {  	s5 =	simm.s32 $_size__tile_overlayer_lowered;
	s6 =	simm.s32 $_tile_overlayer_lowered  }
0x9b: {  	s22 =	simm.s32 $0x1BFF;
	s21 =	sshll.u32 s6, $0x1;
	s3 =	sadd.s32 s4, s19  }
0x9c: {  	s7 =	simm.s32 $0x0;
	s20 =	sshll.u32 s5, $0x1;
	s5 =	sadd.s32 s21, s3  }
0x9d: {  	[timem:s7], [sflag:s22] =	dma.local [hbm:s5], s20  }
0x9e: {  	_ =	swait.ge [sflag:s22], s20  }
0x9f: {  	s4 =	ssub.s32 $0x0, s20;
	[sflag:s22] =	ssyncset.done $0x0  }
0xa0: {  	[sflag:s22] =	ssyncadd.s32 s4;
	_ =	sdelay $0x1  }
0xa1: {  	s23 =	simm.s32 $0x1B8B  }
0xa2: {  	_ =	swait.ge [sflag:s23], $0x1  }
0xa3: {  	[sflag:s23] =	ssyncset.done $0x0  }
0xa4: {  	s25 =	simm.s32 $0x1B8E;
	s24 =	sld [smem:$0x3FFE];
	[sflag:s23] =	ssyncadd.s32 $0xFFFFFFFF  }
0xa5: {  	s26 =	simm.s32 $execute0_lowered;
	[smem:$0x3FD2] =	sst s25  }
0xa6: {  	s5 =	sshll.u32 s26, $0x1;
	_ =	strace $0x80000046;
	[dreg:$0x1] =	wrdreg $0xFFFFFFFF  }
0xa7: {  	s28 =	simm.s32 $_size_execute0_lowered;
	s3 =	sadd.s32 s3, s5;
	[dreg:$0x0] =	wrdreg $0x0  }
0xa8: {  	s5 =	sshll.u32 s28, $0x1;
	[dreg:$0x2] =	wrdreg s3  }
0xa9: {  	[dreg:$0x3] =	wrdreg s5  }
0xaa: {  	[dreg:$0x4] =	wrdreg $0xC0  }
0xab: {  	_ =	task [dreg:s7], $0x5FFFF  }
0xac: {  	[dreg:$0x1] =	wrdreg $0xFFFFFFFF  }
0xad: {  	[dreg:$0x0] =	wrdreg $0x60  }
0xae: {  	[dreg:$0x2] =	wrdreg s24  }
0xaf: {  	[dreg:$0x3] =	wrdreg s2  }
0xb0: {  	[dreg:$0x4] =	wrdreg $0x9  }
0xb1: {  	_ =	task.clear_ibuf [dreg:s7], $0x5FFFF;
	_ =	strace $0x90000046  }
0xb2: {  	s29 =	simm.s32 $0x9;
	_ =	strace $0x80000048  }
0xb3: {  	_ =	swait.ge [sflag:s29], $0x1  }
0xb4: {  	[sflag:s29] =	ssyncadd.s32 $0xFFFFFFFF  }
0xb5: {  	_ =	strace $0x90000048  }
0xb6: {  	_ =	sfence  }
0xb7: {  	s30 =	sld [smem:$0x0];
	_ =	sdelay $0x2  }
0xb8: {  	s31 =	sshll.u32 s1, $0xD;
	s1 =	sshrl.u32 s1, $0x2  }
0xb9: {  	s3 =	sand.u32 $0x4000, s31;
	s1 =	sadd.s32 s1, s30  }
0xba: {  	s0 =	sor.u32 s3, s0;
	s1 =	sshll.u32 s1, $0x11  }
0xbb: {  	s0 =	sor.u32 s1, s0  }
0xbc: {  	s0 =	sadd.s32 $0x8F2B, s0  }
0xbd: {  	[sflag:s0] =	ssyncadd.remote.s32 $0x1  }
0xbe: {  	_ =	sfence.sel $0xFFFF  }
0xbf: {  	[dreg:$0x0] =	wrdreg $0xFFFFFFFF;
	(pc) =	sbr.abs _section_cstart, $3  }
0xc0: {  	[dreg:$0x1] =	wrdreg $0xFFFFFFFF  }
0xc1: {  	_ =	task.clear_ibuf [dreg:s7], $0x2FFFF;
	_ =	strace $0x9FFFFFFF  }
0xc2: {  	(tm) =	ssettm $0x7FFFFFFF  }
0xc3: {  	_ =	shalt  }
tec
execute0_lowered:
.L_overlay_start_1:
0x0: {  	(tag) =	ssettag $0x1  }
0x1: {  	s0 =	rddreg [dreg:$0x0]  }
0x2: {  	s1 =	srdreg.scid;
	s2 =	stileid.u32  }
0x3: {  	s20 =	rddreg [dreg:$0x1];
	s22 =	simm.s32 $0x8000;
	s23 =	simm.s32 $0x1  }
0x4: {  	s24 =	simm.s32 $0x2;
	s28 =	simm.s32 $0x3;
	s29 =	simm.s32 $0x0  }
0x5: {  	s1 =	sand.u32 $0x1, s1;
	s3 =	sshll.u32 s2, $0x1;
	s2 =	simm.s32 $0x0  }
0x6: {  	s5 =	sor.u32 s1, s3;
	[smem:$0x7FF] =	sst s2;
	s1 =	ssub.s32 $0x2, s1  }
0x7: {  	s3 =	sshll.u32 s5, $0xC;
	_ =	strace $0x80000047;
	s30 =	sshrl.u32 s1, $0x1  }
0x8: {  	s4 =	sand.u32 $0xF, s5;
	s6 =	sshll.u32 s5, $0xF;
	s31 =	sshll.u32 s5, $0x12  }
0x9: {  	s0 =	sadd.s32 s3, s0;
	s1 =	ssub.s32 s1, s30;
	s3 =	sadd.s32 s20, s6  }
0xa: {  	s14 =	smax.u32 s4, $0x1;
	s0 =	sadd.s32 $0xC00, s0;
	s5 =	sadd.s32 $0x800, s3  }
0xb: {  	s6 =	sadd.s32 $0x1000, s3;
	s7 =	sadd.s32 $0x1800, s3;
	s8 =	sadd.s32 $0x2000, s3  }
0xc: {  	s9 =	sadd.s32 $0x2800, s3;
	s10 =	sadd.s32 $0x3000, s3;
	s11 =	sadd.s32 $0x3800, s3  }
0xd: {  	s12 =	sadd.s32 $0x4000, s3;
	s13 =	sadd.s32 $0x4800, s3;
	s16 =	sshll.u32 s14, $0xA  }
0xe: {  	s14 =	sadd.s32 $0x5000, s3;
	[dreg:$0x3] =	wrdreg s0;
	s0 =	sor.u32 s16, s31  }
0xf: {  	s15 =	sadd.s32 $0x5800, s3;
	s17 =	sadd.s32 $0x6800, s3;
	s0 =	sadd.s32 $0xFFFFFC00, s0  }
0x10: {  	s18 =	sadd.s32 $0x7000, s3;
	s19 =	sadd.s32 $0x7800, s3;
	s0 =	sshrl.u32 s0, $0x3  }
0x11: {  	v0 =	vimm.f32 $-Inf;
	s21 =	smax.u32 s1, $0x1;
	s16 =	sadd.s32 $0x6000, s3;
	s20 =	sadd.s32 s20, s0  }
.LBB2_1:
0x12: {  	s0 =	rddreg [dreg:$0x3];
	s26 =	sand.u32 $0x70, s2;
	s1 =	sand.u32 $0x3C00, s2  }
0x13: {  	[tilespmem:s2], [sflag:$0x1] =	stream.linear.gather [hbm4b:s0+s2], $0x8000, $0x38;
	[tilespmem:$0xC000] =	vst v63  }
0x14: {  	s30 =	sor.u32 s26, s1  }
0x15: {  	[tilespmem:s30+$0x8080] =	vst v0  }
0x16: {  	[tilespmem:s30+$0x8100] =	vst v0  }
0x17: {  	s25 =	sand.u32 $0x7, s2;
	[tilespmem:s30+$0x8180] =	vst v0  }
0x18: {  	s31 =	simm.s32 $0x0;
	s1 =	simm.s32 $0x10;
	s0 =	simm.s32 $0x0;
	[tilespmem:s30+$0x8200] =	vst v0  }
.LBB2_2:
0x19: {  	p0 =	sne.s32 s1, $0x7F0;
	s25 =	sshll.u32 s25, $0x4;
	[tilespmem:s30+$0x8280] =	vst v0  }
0x1a: {  	s25 =	sadd.s32 s25, s31;
	[tilespmem:s30+$0x8300] =	vst v0;
	s31 =	sadd.s32 $0x80, s31  }
0x1b: {  	s26 =	sand.u32 $0x70, s1;
	s4 =	sand.u32 $0x3C00, s31;
	[tilespmem:s30+$0x8000] =	vst v0;
	s25 =	sor.u32 $0x380, s25  }
.Ltmp0:
0x1c: {  	s30 =	sor.u32 s26, s4;
	[tilespmem:s25+$0x8000] =	vst v0;
	(pc) =	sbr.rel @p0 .LBB2_2-.Ltmp0, $4  }
0x1d: {  	[tilespmem:s30+$0x8080] =	vst v0  }
0x1e: {  	[tilespmem:s30+$0x8100] =	vst v0  }
0x1f: {  	s0 =	sadd.s32 $0x1, s0;
	[tilespmem:s30+$0x8180] =	vst v0  }
0x20: {  	s1 =	sadd.s32 $0x10, s1;
	s25 =	sand.u32 $0x7, s0;
	[tilespmem:s30+$0x8200] =	vst v0  }
0x21: {  	s0 =	sshll.u32 s25, $0x4;
	[tilespmem:s30+$0x8280] =	vst v0  }
0x22: {  	[tilespmem:s30+$0x8300] =	vst v0;
	s0 =	sadd.s32 s0, s31  }
0x23: {  	[tilespmem:s30+$0x8000] =	vst v0;
	s0 =	sor.u32 $0x380, s0  }
0x24: {  	[tilespmem:s0+$0x8000] =	vst v0  }
0x25: {  	[hbm4b:s3+s2] =	stream.linear.scatter [tilespmem:s22], [sflag:$0x2], $0x4000, $0x38;
	[tilespmem:$0xC000] =	vst v63  }
0x26: {  	_ = 	snop  }
0x27: {  	[hbm4b:s5+s2] =	stream.linear.scatter [tilespmem:s22], [sflag:$0x2], $0x4000, $0x38;
	[tilespmem:$0xC000] =	vst v63  }
0x28: {  	_ = 	snop  }
0x29: {  	[hbm4b:s6+s2] =	stream.linear.scatter [tilespmem:s22], [sflag:$0x2], $0x4000, $0x38;
	[tilespmem:$0xC000] =	vst v63  }
0x2a: {  	_ = 	snop  }
0x2b: {  	[hbm4b:s7+s2] =	stream.linear.scatter [tilespmem:s22], [sflag:$0x2], $0x4000, $0x38;
	[tilespmem:$0xC000] =	vst v63  }
0x2c: {  	_ = 	snop  }
0x2d: {  	[hbm4b:s8+s2] =	stream.linear.scatter [tilespmem:s22], [sflag:$0x2], $0x4000, $0x38;
	[tilespmem:$0xC000] =	vst v63  }
0x2e: {  	_ = 	snop  }
0x2f: {  	[hbm4b:s9+s2] =	stream.linear.scatter [tilespmem:s22], [sflag:$0x2], $0x4000, $0x38;
	[tilespmem:$0xC000] =	vst v63  }
0x30: {  	_ = 	snop  }
0x31: {  	[hbm4b:s10+s2] =	stream.linear.scatter [tilespmem:s22], [sflag:$0x2], $0x4000, $0x38;
	[tilespmem:$0xC000] =	vst v63  }
0x32: {  	_ = 	snop  }
0x33: {  	[hbm4b:s11+s2] =	stream.linear.scatter [tilespmem:s22], [sflag:$0x2], $0x4000, $0x38;
	[tilespmem:$0xC000] =	vst v63  }
0x34: {  	_ = 	snop  }
0x35: {  	[hbm4b:s12+s2] =	stream.linear.scatter [tilespmem:s22], [sflag:$0x2], $0x4000, $0x38;
	[tilespmem:$0xC000] =	vst v63  }
0x36: {  	_ = 	snop  }
0x37: {  	[hbm4b:s13+s2] =	stream.linear.scatter [tilespmem:s22], [sflag:$0x2], $0x4000, $0x38;
	[tilespmem:$0xC000] =	vst v63  }
0x38: {  	_ = 	snop  }
0x39: {  	[hbm4b:s14+s2] =	stream.linear.scatter [tilespmem:s22], [sflag:$0x2], $0x4000, $0x38;
	[tilespmem:$0xC000] =	vst v63  }
0x3a: {  	_ = 	snop  }
0x3b: {  	[hbm4b:s15+s2] =	stream.linear.scatter [tilespmem:s22], [sflag:$0x2], $0x4000, $0x38;
	[tilespmem:$0xC000] =	vst v63  }
0x3c: {  	_ = 	snop  }
0x3d: {  	[hbm4b:s16+s2] =	stream.linear.scatter [tilespmem:s22], [sflag:$0x2], $0x4000, $0x38;
	[tilespmem:$0xC000] =	vst v63  }
0x3e: {  	_ = 	snop  }
0x3f: {  	[hbm4b:s17+s2] =	stream.linear.scatter [tilespmem:s22], [sflag:$0x2], $0x4000, $0x38;
	[tilespmem:$0xC000] =	vst v63  }
0x40: {  	_ = 	snop  }
0x41: {  	[hbm4b:s18+s2] =	stream.linear.scatter [tilespmem:s22], [sflag:$0x2], $0x4000, $0x38;
	[tilespmem:$0xC000] =	vst v63  }
0x42: {  	_ = 	snop  }
0x43: {  	[hbm4b:s19+s2] =	stream.linear.scatter [tilespmem:s22], [sflag:$0x2], $0x4000, $0x38;
	[tilespmem:$0xC000] =	vst v63  }
0x44: {  	_ =	swait.ge [sflag:s23], $0x8000  }
0x45: {  	[sflag:s23] =	ssyncset.done $0x0  }
0x46: {  	[sflag:s23] =	ssyncadd.s32 $0xFFFF8000  }
0x47: {  	_ =	swait.ge [sflag:s24], $0x4000  }
0x48: {  	[sflag:s24] =	ssyncset.done $0x0  }
0x49: {  	[sflag:s24] =	ssyncadd.s32 $0xFFFFC000  }
0x4a: {  	_ =	swait.ge [sflag:s24], $0x4000  }
0x4b: {  	[sflag:s24] =	ssyncset.done $0x0  }
0x4c: {  	[sflag:s24] =	ssyncadd.s32 $0xFFFFC000  }
0x4d: {  	_ =	swait.ge [sflag:s24], $0x4000  }
0x4e: {  	[sflag:s24] =	ssyncset.done $0x0  }
0x4f: {  	[sflag:s24] =	ssyncadd.s32 $0xFFFFC000  }
0x50: {  	_ =	swait.ge [sflag:s24], $0x4000  }
0x51: {  	[sflag:s24] =	ssyncset.done $0x0  }
0x52: {  	[sflag:s24] =	ssyncadd.s32 $0xFFFFC000  }
0x53: {  	_ =	swait.ge [sflag:s24], $0x4000  }
0x54: {  	[sflag:s24] =	ssyncset.done $0x0  }
0x55: {  	[sflag:s24] =	ssyncadd.s32 $0xFFFFC000  }
0x56: {  	_ =	swait.ge [sflag:s24], $0x4000  }
0x57: {  	[sflag:s24] =	ssyncset.done $0x0  }
0x58: {  	[sflag:s24] =	ssyncadd.s32 $0xFFFFC000  }
0x59: {  	_ =	swait.ge [sflag:s24], $0x4000  }
0x5a: {  	[sflag:s24] =	ssyncset.done $0x0  }
0x5b: {  	[sflag:s24] =	ssyncadd.s32 $0xFFFFC000  }
0x5c: {  	_ =	swait.ge [sflag:s24], $0x4000  }
0x5d: {  	[sflag:s24] =	ssyncset.done $0x0  }
0x5e: {  	[sflag:s24] =	ssyncadd.s32 $0xFFFFC000  }
0x5f: {  	_ =	swait.ge [sflag:s24], $0x4000  }
0x60: {  	[sflag:s24] =	ssyncset.done $0x0  }
0x61: {  	[sflag:s24] =	ssyncadd.s32 $0xFFFFC000  }
0x62: {  	_ =	swait.ge [sflag:s24], $0x4000  }
0x63: {  	[sflag:s24] =	ssyncset.done $0x0  }
0x64: {  	[sflag:s24] =	ssyncadd.s32 $0xFFFFC000  }
0x65: {  	_ =	swait.ge [sflag:s24], $0x4000  }
0x66: {  	[sflag:s24] =	ssyncset.done $0x0  }
0x67: {  	[sflag:s24] =	ssyncadd.s32 $0xFFFFC000  }
0x68: {  	_ =	swait.ge [sflag:s24], $0x4000  }
0x69: {  	[sflag:s24] =	ssyncset.done $0x0  }
0x6a: {  	[sflag:s24] =	ssyncadd.s32 $0xFFFFC000  }
0x6b: {  	_ =	swait.ge [sflag:s24], $0x4000  }
0x6c: {  	[sflag:s24] =	ssyncset.done $0x0  }
0x6d: {  	[sflag:s24] =	ssyncadd.s32 $0xFFFFC000  }
0x6e: {  	_ =	swait.ge [sflag:s24], $0x4000  }
0x6f: {  	[sflag:s24] =	ssyncset.done $0x0  }
0x70: {  	[sflag:s24] =	ssyncadd.s32 $0xFFFFC000  }
0x71: {  	_ =	swait.ge [sflag:s24], $0x4000  }
0x72: {  	[sflag:s24] =	ssyncset.done $0x0  }
0x73: {  	[sflag:s24] =	ssyncadd.s32 $0xFFFFC000  }
0x74: {  	s29 =	sadd.s32 $0x1, s29;
	_ =	swait.ge [sflag:s24], $0x4000  }
0x75: {  	s1 =	simm.s32 $0x4000;
	p0 =	sne.s32 s29, s21;
	[sflag:s24] =	ssyncset.done $0x0  }
.Ltmp1:
0x76: {  	s31 =	simm.s32 $0x800;
	[sflag:s24] =	ssyncadd.s32 $0xFFFFC000;
	(pc) =	sbr.rel @p0 .LBB2_1-.Ltmp1, $4  }
0x77: {  	[hbm4b:s20+s31] =	stream.strided.scatter [tilespmem:s2], [sflag:$0x3], $0x8000, s1, s31, $0x38;
	[tilespmem:$0xC000] =	vst v63  }
0x78: {  	_ =	swait.ge [sflag:s28], $0x8000  }
0x79: {  	[sflag:s28] =	ssyncset.done $0x0  }
0x7a: {  	[sflag:s28] =	ssyncadd.s32 $0xFFFF8000  }
0x7b: {  	_ =	sfence.sel $0x180000  }
0x7c: {  	[bflag:$0x0] =	sbarrier.arrive $0xFFFF  }
0x7d: {  	_ =	strace $0x90000047  }
0x7e: {  	s0 =	stileid.u32;
	[bflag:$0x2] =	sbarrier.arrive $0xFFFF  }
0x7f: {  	p0 =	sne.s32 s0, $0x0;
	s0 =	rddreg [dreg:$0x2]  }
0x80: {  	s0 =	sadd.s32 @!p0 $0x100000, s0  }
0x81: {  	[sflag:s0] =	ssyncadd.tile.s32 @!p0 $0x1;
	_ =	shalt  }
.Lfunc_end2:
_tile_overlayer_lowered:
.L_overlay_start_2:
0x82: {  	(tag) =	ssettag $0x2  }
0x83: {  	s0 =	rddreg [dreg:$0x0];
	s2 =	stileid.u32  }
0x84: {  	s1 =	rddreg [dreg:$0x1];
	p0 =	sne.s32 s2, $0x0  }
0x85: {  	s3 =	rddreg [dreg:$0x2];
	[bflag:$0x3] =	sbarrier.arrive $0xFFFF;
	s2 =	simm.s32 @!p0 $0x1C04  }
0x86: {  	[timem:s3], [sflag:s2] =	dma.local @!p0 [hbm:s0], s1  }
0x87: {  	s0 =	simm.s32 @!p0 $0x4  }
0x88: {  	_ =	swait.ge @!p0 [sflag:s0], s1  }
0x89: {  	s1 =	ssub.s32 @!p0 $0x0, s1;
	[sflag:s0] =	ssyncset.done @!p0 $0x0  }
0x8a: {  	[sflag:s0] =	ssyncadd.s32 @!p0 s1  }
0x8b: {  	[bflag:$0x3] =	sbarrier.arrive $0xFFFF  }
0x8c: {  	_ =	shalt  }

</sc_bundles>
